<compile_context>
chip_gen: v7x
topology: tpu7x:2x2x1
jax: 0.10.2.dev20260603
libtpu: 0.0.44.dev20260713+nightly
codegen_flags: <defaults>
</compile_context>

<pallas_src>
import functools

import numpy as np

import jax
import jax.numpy as jnp
from jax import lax
from jax.experimental import pallas as pl
from jax.experimental.pallas import tpu as pltpu
from jax.experimental.pallas import tpu_sc as plsc

_B = 8
_K = 64
_EPS = 1e-5
_NW = 32


def _fps_body(npoint, n, xyz_ref, nxyz_ref):
    X = xyz_ref[0]
    Y = xyz_ref[1]
    Z = xyz_ref[2]
    lane = lax.broadcasted_iota(jnp.int32, (_B, n), 1)
    rec_lane = lax.broadcasted_iota(jnp.int32, (_B, npoint), 1)
    nxyz_ref[...] = jnp.zeros((3, _B, npoint), jnp.float32)

    def step(i, carry):
        dist, far = carry
        oh = (lane == far).astype(jnp.float32)
        cx = jnp.sum(X * oh, axis=1, keepdims=True)
        cy = jnp.sum(Y * oh, axis=1, keepdims=True)
        cz = jnp.sum(Z * oh, axis=1, keepdims=True)
        rec = (rec_lane == i).astype(jnp.float32)
        nxyz_ref[0] += cx * rec
        nxyz_ref[1] += cy * rec
        nxyz_ref[2] += cz * rec
        dx = X - cx
        dy = Y - cy
        dz = Z - cz
        d = dx * dx + dy * dy + dz * dz
        dist = jnp.minimum(dist, d)
        m = jnp.max(dist, axis=1, keepdims=True)
        far = jnp.min(jnp.where(dist == m, lane, n), axis=1, keepdims=True)
        return dist, far

    init = (jnp.full((_B, n), 1e10, jnp.float32), jnp.zeros((_B, 1), jnp.int32))
    lax.fori_loop(0, npoint, step, init)


def _fps(xyz3, npoint):
    n = xyz3.shape[2]
    return pl.pallas_call(
        functools.partial(_fps_body, npoint, n),
        out_shape=jax.ShapeDtypeStruct((3, _B, npoint), jnp.float32),
    )(xyz3)


def _bq_body(n, nc, r2, st, x_ref, c_ref, u_ref, u2_ref, o_ref):
    b = pl.program_id(0)
    X = x_ref[0, 0][None]
    Y = x_ref[0, 1][None]
    Z = x_ref[0, 2][None]
    ctr = c_ref[0]
    cx = ctr[:, 0:1].reshape(st, 1, 1)
    cy = ctr[:, 1:2].reshape(st, 1, 1)
    cz = ctr[:, 2:3].reshape(st, 1, 1)
    dx = cx - X
    dy = cy - Y
    dz = cz - Z
    d2 = dx * dx + dy * dy + dz * dz
    mask = (d2 <= r2).astype(jnp.float32)
    m2 = mask.reshape(st * nc, 128)
    y = jnp.dot(m2, u_ref[...], preferred_element_type=jnp.float32)
    csum = jnp.sum(mask, axis=2)
    hi = jnp.dot(csum, u2_ref[...], preferred_element_type=jnp.float32)
    cnt = y.reshape(st, nc, 128)
    kcol = lax.broadcasted_iota(jnp.int32, (1, _K, 1), 1).astype(jnp.float32)
    c1 = (hi[:, None, :] <= kcol).astype(jnp.float32)
    nfull = jnp.sum(c1, axis=2, keepdims=True)
    c1prev = jnp.concatenate(
        [jnp.ones((st, _K, 1), jnp.float32), c1[:, :, :nc - 1]], axis=2)
    e = c1prev - c1
    cv = lax.dot_general(e, cnt, (((2,), (1,)), ((0,), (0,))),
                         preferred_element_type=jnp.float32)
    ex = jnp.sum(e * (hi - csum)[:, None, :], axis=2, keepdims=True)
    partial = jnp.sum((cv + ex <= kcol).astype(jnp.float32), axis=2, keepdims=True)
    idxf = 128.0 * nfull[:, :, 0] + partial[:, :, 0]
    first = idxf[:, 0:1]
    idxf = jnp.where(idxf >= float(n), first, idxf)
    o_ref[0] = idxf.astype(jnp.int32) + b * n


def _bq(xyz_b3n, centers, radius, st=32):
    n = xyz_b3n.shape[2]
    nc = n // 128
    s = centers.shape[1]
    x4 = xyz_b3n.reshape(_B, 3, nc, 128)
    iu = np.arange(128)
    u = jnp.asarray((iu[:, None] <= iu[None, :]), jnp.float32)
    ic = np.arange(nc)
    u2 = jnp.asarray((ic[:, None] <= ic[None, :]), jnp.float32)
    return pl.pallas_call(
        functools.partial(_bq_body, n, nc, radius * radius, st),
        grid=(_B, s // st),
        in_specs=[
            pl.BlockSpec((1, 3, nc, 128), lambda b, i: (b, 0, 0, 0)),
            pl.BlockSpec((1, st, 3), lambda b, i: (b, i, 0)),
            pl.BlockSpec((128, 128), lambda b, i: (0, 0)),
            pl.BlockSpec((nc, nc), lambda b, i: (0, 0)),
        ],
        out_specs=pl.BlockSpec((1, st, _K), lambda b, i: (b, i, 0)),
        out_shape=jax.ShapeDtypeStruct((_B, s, _K), jnp.int32),
    )(x4, centers, u, u2)


def _sc_gather(table, idx2, c):
    ng_tot = idx2.shape[0]
    r = ng_tot * 128
    ng = ng_tot // _NW
    mesh = plsc.VectorSubcoreMesh(core_axis_name="c", subcore_axis_name="s")

    @functools.partial(
        pl.kernel,
        mesh=mesh,
        compiler_params=pltpu.CompilerParams(use_tc_tiling_on_sc=False),
        out_type=jax.ShapeDtypeStruct((r, c), jnp.float32),
        scratch_types=[
            pltpu.VMEM((ng, 128), jnp.int32),
            pltpu.VMEM((128, c), jnp.float32),
            pltpu.SemaphoreType.DMA,
        ],
    )
    def gk(table_hbm, idx_hbm, out_hbm, idx_v, rows_v, sem):
        wid = lax.axis_index("s") * 2 + lax.axis_index("c")
        pltpu.sync_copy(idx_hbm.at[pl.ds(wid * ng, ng)], idx_v)

        def body(j, carry):
            pltpu.async_copy(table_hbm.at[idx_v.at[j]], rows_v, sem).wait()
            pltpu.sync_copy(rows_v, out_hbm.at[pl.ds((wid * ng + j) * 128, 128)])
            return carry

        lax.fori_loop(0, ng, body, 0)

    return gk(table, idx2)


def _pass_body(nw, st, c0, c_last, rtot, want_pool, *refs):
    i = pl.program_id(0)
    x0_ref, ctr_ref = refs[0], refs[1]
    w_refs = refs[2:2 + nw]
    b_refs = refs[2 + nw:2 + 2 * nw]
    base = 2 + 2 * nw
    g_refs = refs[base:base + nw - 1]
    be_refs = refs[base + nw - 1:base + 2 * (nw - 1)]
    s_refs = refs[base + 2 * (nw - 1):base + 3 * (nw - 1)]
    outs = refs[base + 3 * (nw - 1):]

    t = st * _K
    x = x0_ref[...].reshape(st, _K, c0) - ctr_ref[...][:, None, :]
    h = x.reshape(t, c0)
    for l in range(nw - 1):
        y = jnp.dot(h, w_refs[l][...], preferred_element_type=jnp.float32) + b_refs[l][...]
        sm = s_refs[l][...]
        mean = sm[0:1, :] / rtot
        var = sm[1:2, :] / rtot - mean * mean
        sc = g_refs[l][...] / jnp.sqrt(var + _EPS)
        tt = be_refs[l][...] - mean * sc
        h = jnp.maximum(y * sc + tt, 0.0)
    y = jnp.dot(h, w_refs[-1][...], preferred_element_type=jnp.float32) + b_refs[-1][...]

    sums_out = outs[0]

    @pl.when(i == 0)
    def _():
        sums_out[...] = jnp.zeros_like(sums_out)

    sums_out[0:1, :] += jnp.sum(y, axis=0, keepdims=True)
    sums_out[1:2, :] += jnp.sum(y * y, axis=0, keepdims=True)
    if want_pool:
        y3 = y.reshape(st, _K, c_last)
        outs[1][...] = jnp.max(y3, axis=1)
        outs[2][...] = jnp.min(y3, axis=1)


def _mlp_pass(x0, ctr, ws, bs, gs, bes, sums_in, st, want_pool):
    rtot, c0 = x0.shape
    nw = len(ws)
    c_last = ws[-1].shape[1]
    t = st * _K
    nsteps = rtot // t
    ins = [x0, ctr] + list(ws) + list(bs) + list(gs) + list(bes) + list(sums_in)
    in_specs = [
        pl.BlockSpec((t, c0), lambda i: (i, 0)),
        pl.BlockSpec((st, c0), lambda i: (i, 0)),
    ]
    for a in ins[2:]:
        in_specs.append(pl.BlockSpec(a.shape, lambda i: tuple(0 for _ in a.shape)))
    out_shape = [jax.ShapeDtypeStruct((2, c_last), jnp.float32)]
    out_specs = [pl.BlockSpec((2, c_last), lambda i: (0, 0))]
    if want_pool:
        srows = rtot // _K
        out_shape += [jax.ShapeDtypeStruct((srows, c_last), jnp.float32)] * 2
        out_specs += [pl.BlockSpec((st, c_last), lambda i: (i, 0))] * 2
    res = pl.pallas_call(
        functools.partial(_pass_body, nw, st, c0, c_last, float(rtot), want_pool),
        grid=(nsteps,),
        in_specs=in_specs,
        out_specs=out_specs,
        out_shape=out_shape,
    )(*ins)
    return res if want_pool else res[0]


def _finalize_body(rtot, pmax_ref, pmin_ref, sums_ref, g_ref, be_ref, o_ref):
    sm = sums_ref[...]
    mean = sm[0:1, :] / rtot
    var = sm[1:2, :] / rtot - mean * mean
    sc = g_ref[...] / jnp.sqrt(var + _EPS)
    tt = be_ref[...] - mean * sc
    sel = jnp.where(sc >= 0.0, pmax_ref[...], pmin_ref[...])
    o_ref[...] = jnp.maximum(sel * sc + tt, 0.0)


def _finalize(pmax, pmin, sums, g, be):
    rtot_pool, c = pmax.shape
    return pl.pallas_call(
        functools.partial(_finalize_body, float(rtot_pool * _K)),
        out_shape=jax.ShapeDtypeStruct((rtot_pool, c), jnp.float32),
    )(pmax, pmin, sums, g, be)


def _sa3dec_body(rows_ref, w1, b1, g1, e1, w2, b2, g2, e2, w3, b3, g3, e3,
                 d1, c1, d2, c2, d3, c3, o_ref):
    h = rows_ref[...]
    for (w, b, g, e) in ((w1, b1, g1, e1), (w2, b2, g2, e2), (w3, b3, g3, e3)):
        y = jnp.dot(h, w[...], preferred_element_type=jnp.float32) + b[...]
        mean = jnp.mean(y, axis=0, keepdims=True)
        dvi = y - mean
        var = jnp.mean(dvi * dvi, axis=0, keepdims=True)
        h = jnp.maximum(dvi / jnp.sqrt(var + _EPS) * g[...] + e[...], 0.0)
    pooled = jnp.max(h.reshape(_B, 128, 1024), axis=1)
    hh = jnp.maximum(jnp.dot(pooled, d1[...], preferred_element_type=jnp.float32) + c1[...], 0.0)
    hh = jnp.maximum(jnp.dot(hh, d2[...], preferred_element_type=jnp.float32) + c2[...], 0.0)
    o_ref[...] = jnp.dot(hh, d3[...], preferred_element_type=jnp.float32) + c3[...]


def _sa3dec(rows3, args):
    return pl.pallas_call(
        _sa3dec_body,
        out_shape=jax.ShapeDtypeStruct((_B, 768), jnp.float32),
    )(rows3, *args)


def _pad_w(w, rows):
    if w.shape[0] == rows:
        return w
    return jnp.concatenate(
        [w, jnp.zeros((rows - w.shape[0], w.shape[1]), jnp.float32)], axis=0)


def _sa_level(x0, ctr, layers, c0, st):
    ws = [_pad_w(layers[0]['W'], c0), layers[1]['W'], layers[2]['W']]
    bs = [l['b'][None, :] for l in layers]
    gs = [l['gamma'][None, :] for l in layers]
    bes = [l['beta'][None, :] for l in layers]
    s1 = _mlp_pass(x0, ctr, ws[:1], bs[:1], [], [], [], st, False)
    s2 = _mlp_pass(x0, ctr, ws[:2], bs[:2], gs[:1], bes[:1], [s1], st, False)
    s3, pmax, pmin = _mlp_pass(x0, ctr, ws, bs, gs[:2], bes[:2], [s1, s2], st, True)
    return _finalize(pmax, pmin, s3, gs[2], bes[2])


def kernel(xyz, params):
    pts = jnp.transpose(xyz, (0, 2, 1))
    b, n1, _ = pts.shape
    xyz3 = jnp.transpose(pts[..., 0:3], (2, 0, 1))

    nxyz1 = _fps(xyz3, 512)
    new1 = jnp.transpose(nxyz1, (1, 2, 0))
    gidx1 = _bq(jnp.transpose(xyz3, (1, 0, 2)), new1, 0.015)
    table1 = jnp.concatenate(
        [pts, jnp.zeros((b, n1, 2), jnp.float32)], axis=-1).reshape(b * n1, 8)
    x01 = _sc_gather(table1, gidx1.reshape(-1, 128), 8)
    ctr1 = jnp.concatenate(
        [new1, jnp.zeros((b, 512, 5), jnp.float32)], axis=-1).reshape(b * 512, 8)
    l1p = _sa_level(x01, ctr1, params['sa1'], 8, 64)

    nxyz2 = _fps(nxyz1, 128)
    new2 = jnp.transpose(nxyz2, (1, 2, 0))
    gidx2 = _bq(jnp.transpose(nxyz1, (1, 0, 2)), new2, 0.04)
    table2 = jnp.concatenate(
        [new1, l1p.reshape(b, 512, 128), jnp.zeros((b, 512, 5), jnp.float32)],
        axis=-1).reshape(b * 512, 136)
    x02 = _sc_gather(table2, gidx2.reshape(-1, 128), 136)
    ctr2 = jnp.concatenate(
        [new2, jnp.zeros((b, 128, 133), jnp.float32)], axis=-1).reshape(b * 128, 136)
    l2p = _sa_level(x02, ctr2, params['sa2'], 136, 64)

    rows3 = jnp.concatenate(
        [new2, l2p.reshape(b, 128, 256), jnp.zeros((b, 128, 5), jnp.float32)],
        axis=-1).reshape(b * 128, 264)
    sa3 = params['sa3']
    dec = params['decoder']
    args = []
    for l, rows in zip(sa3, (264, 256, 256)):
        args += [_pad_w(l['W'], rows), l['b'][None, :],
                 l['gamma'][None, :], l['beta'][None, :]]
    for l in dec:
        args += [l['W'], l['b'][None, :]]
    out8 = _sa3dec(rows3, args)

    return (out8.reshape(b, 256, 3),
            jnp.transpose(new2, (0, 2, 1)),
            jnp.zeros((b, 3, 1), jnp.float32))

# --- scband reference (transcript-rebuilt; emitter-appended) ---
"""Pipeline reference for scband-d-point-ae-fc-conv-33706903339268 (READ-ONLY COPY).

The authoritative reference and input builder live on the scoring server;
editing this copy changes nothing except your own understanding.
"""

import jax, jax.numpy as jnp
import numpy as np


def square_distance(src, dst):
    return jnp.sum((src[:, :, None, :] - dst[:, None, :, :]) ** 2, axis=-1)


def index_points(points, idx):
    B, N, C = points.shape
    flat = idx.reshape(B, -1)
    M = flat.shape[1]
    gathered = jnp.take_along_axis(points, jnp.broadcast_to(flat[:, :, None], (B, M, C)), axis=1)
    return gathered.reshape(idx.shape + (C,))


def farthest_point_sample(xyz, npoint):
    xyz = jax.lax.stop_gradient(xyz)
    B, N, _ = xyz.shape
    centroids = []
    distance = jnp.full((B, N), 1e10, dtype=jnp.float32)
    farthest = jnp.zeros((B,), dtype=jnp.int32)
    for _ in range(npoint):
        centroids.append(farthest)
        centroid = jnp.take_along_axis(xyz, jnp.broadcast_to(farthest[:, None, None], (B, 1, 3)), axis=1)
        dist = jnp.sum((xyz - centroid) ** 2, axis=-1)
        distance = jnp.minimum(distance, dist)
        farthest = jnp.argmax(distance, axis=-1).astype(jnp.int32)
    return jnp.stack(centroids, axis=1)


def query_ball_point(radius, nsample, xyz, new_xyz):
    B, N, _ = xyz.shape
    S = new_xyz.shape[1]
    sqrdists = jax.lax.stop_gradient(square_distance(new_xyz, xyz))
    group_idx = jnp.broadcast_to(jnp.arange(N, dtype=jnp.int32)[None, None, :], (B, S, N))
    group_idx = jnp.where(sqrdists > radius ** 2, N, group_idx)
    group_idx = jnp.sort(group_idx, axis=-1)[:, :, :nsample]
    group_first = jnp.broadcast_to(group_idx[:, :, :1], (B, S, nsample))
    group_idx = jnp.where(group_idx == N, group_first, group_idx)
    return group_idx


def conv_bn_relu(x, layer):
    x = jnp.einsum('...c,cd->...d', x, layer['W']) + layer['b']
    axes = tuple(range(x.ndim - 1))
    mean = jnp.mean(x, axis=axes)
    var = jnp.var(x, axis=axes)
    x = (x - mean) / jnp.sqrt(var + 1e-5) * layer['gamma'] + layer['beta']
    return jax.nn.relu(x)


def set_abstraction(xyz, points, npoint, radius, nsample, layers, group_all):
    B = xyz.shape[0]
    if group_all:
        new_xyz = jnp.zeros((B, 1, 3), xyz.dtype)
        grouped = xyz[:, None, :, :]
        if points is not None:
            grouped = jnp.concatenate([grouped, points[:, None, :, :]], axis=-1)
    else:
        fps_idx = farthest_point_sample(xyz, npoint)
        new_xyz = index_points(xyz, fps_idx)
        idx = query_ball_point(radius, nsample, xyz, new_xyz)
        grouped_xyz = index_points(xyz, idx) - new_xyz[:, :, None, :]
        if points is not None:
            grouped = jnp.concatenate([grouped_xyz, index_points(points, idx)], axis=-1)
        else:
            grouped = grouped_xyz
    x = grouped
    for layer in layers:
        x = conv_bn_relu(x, layer)
    return new_xyz, jnp.max(x, axis=2)


def forward(xyz_bcn, params):
    pts = jnp.transpose(xyz_bcn, (0, 2, 1))
    xyz = pts[:, :, 0:3]
    feats = pts[:, :, 3:]
    l1_xyz, l1_points = set_abstraction(xyz, feats, 512, 0.015, 64, params['sa1'], False)
    l2_xyz, l2_points = set_abstraction(l1_xyz, l1_points, 128, 0.04, 64, params['sa2'], False)
    l3_xyz, l3_points = set_abstraction(l2_xyz, l2_points, None, None, None, params['sa3'], True)
    x = l3_points.reshape(-1, 1024)
    n_dec = len(params['decoder'])
    for i, layer in enumerate(params['decoder']):
        x = x @ layer['W'] + layer['b']
        if i < n_dec - 1:
            x = jax.nn.relu(x)
    out = x.reshape(-1, 256, 3)
    return out, jnp.transpose(l2_xyz, (0, 2, 1)), jnp.transpose(l3_xyz, (0, 2, 1))


def make_params(key):
    cnt = [0]
    def nk():
        cnt[0] += 1
        return jax.random.fold_in(key, cnt[0])
    def mlp(specs, bn=True):
        layers = []
        for (i_dim, o_dim) in specs:
            layer = {'W': jax.random.normal(nk(), (i_dim, o_dim), jnp.float32) / np.sqrt(i_dim),
                     'b': jnp.zeros((o_dim,), jnp.float32)}
            if bn:
                layer['gamma'] = jnp.ones((o_dim,), jnp.float32)
                layer['beta'] = jnp.zeros((o_dim,), jnp.float32)
            layers.append(layer)
        return layers
    return {'sa1': mlp([(6, 64), (64, 64), (64, 128)]),
            'sa2': mlp([(131, 128), (128, 128), (128, 256)]),
            'sa3': mlp([(259, 256), (256, 256), (256, 1024)]),
            'decoder': mlp([(1024, 256), (256, 256), (256, 768)], bn=False)}


def setup_inputs(seed: int = 0):
    key = jax.random.key(seed)
    xyz = jax.random.uniform(jax.random.fold_in(key, 1), (8, 6, 4096), dtype=jnp.float32)
    params = make_params(jax.random.fold_in(key, 2))
    return {'xyz': xyz, 'params': params}


def reference(xyz, params):
    return forward(xyz, params)

if __name__ == "__main__":
    import jax
    _d = setup_inputs()
    print(jax.jit(kernel)(*tuple(_d.values())))

</pallas_src>

<mosaic_0001>
#map = affine_map<(d0, d1) -> (0, 0)>
module attributes {stable_mosaic.version = 14 : i64} {
  func.func @gk(%arg0: i32, %arg1: i32, %arg2: memref<32768x8xf32, #tpu.memory_space<hbm>>, %arg3: memref<2048x128xi32, #tpu.memory_space<hbm>>, %arg4: memref<262144x8xf32, #tpu.memory_space<hbm>>, %arg5: memref<64x128xi32, #tpu.memory_space<vmem>>, %arg6: memref<128x8xf32, #tpu.memory_space<vmem>>, %arg7: memref<!tpu.dma_semaphore, #tpu.memory_space<semaphore_mem>>) attributes {dimension_semantics = [#tpu.dimension_semantics<core_parallel>, #tpu.dimension_semantics<subcore_parallel>], iteration_bounds = array<i64: 2, 16>, scalar_prefetch = 0 : i64, scratch_operands = 3 : i64, tpu.core_type = #tpu.core_type<sc_vector_subcore>, window_params = [{transform_indices = #map}, {transform_indices = #map}, {transform_indices = #map}]} {
    %mul3A = arith.constant 2 : i32
    %mul3A_0 = arith.muli %arg1, %mul3A : i32
    %add3A = arith.addi %mul3A_0, %arg0 : i32
    %mul3A_1 = arith.constant 64 : i32
    %mul3A_2 = arith.muli %add3A, %mul3A_1 : i32
    "tpu.region"() ({
      %run_scoped3A = tpu.sem_alloc : memref<!tpu.dma_semaphore, #tpu.memory_space<semaphore_mem>>
      %dma_start3A = arith.constant 0 : i32
      %dma_start3A_8 = tpu.memref_slice %arg3[%mul3A_2, %dma_start3A] : memref<2048x128xi32, #tpu.memory_space<hbm>> -> memref<64x128xi32, #tpu.memory_space<hbm>>
      %dma_start3A_9 = arith.constant 0 : i32
      %dma_start3A_10 = tpu.memref_slice %arg3[%mul3A_2, %dma_start3A_9] : memref<2048x128xi32, #tpu.memory_space<hbm>> -> memref<64x128xi32, #tpu.memory_space<hbm>>
      tpu.enqueue_dma source(%dma_start3A_10 : memref<64x128xi32, #tpu.memory_space<hbm>>) target(%arg5 : memref<64x128xi32, #tpu.memory_space<vmem>>) target_semaphore(%run_scoped3A : memref<!tpu.dma_semaphore, #tpu.memory_space<semaphore_mem>>)
      %dma_wait3A = arith.constant 0 : i32
      %dma_wait3A_11 = tpu.memref_slice %arg3[%mul3A_2, %dma_wait3A] : memref<2048x128xi32, #tpu.memory_space<hbm>> -> memref<64x128xi32, #tpu.memory_space<hbm>>
      %dma_wait3A_12 = arith.constant 0 : i32
      %dma_wait3A_13 = tpu.memref_slice %arg3[%mul3A_2, %dma_wait3A_12] : memref<2048x128xi32, #tpu.memory_space<hbm>> -> memref<64x128xi32, #tpu.memory_space<hbm>>
      tpu.wait_dma2 semaphore(%run_scoped3A : memref<!tpu.dma_semaphore, #tpu.memory_space<semaphore_mem>>) src(%dma_wait3A_13 : memref<64x128xi32, #tpu.memory_space<hbm>>) dst(%arg5 : memref<64x128xi32, #tpu.memory_space<vmem>>)
      tpu.yield
    }) : () -> ()
    %scan3A = arith.constant 0 : i32
    %scan3A_3 = arith.constant 0 : i32
    %scan3A_4 = arith.constant 64 : i32
    %scan3A_5 = arith.addi %scan3A_3, %scan3A_4 : i32
    %scan3A_6 = arith.constant 1 : i32
    scf.for %scan3A_8 = %scan3A_3 to %scan3A_5 step %scan3A_6  : i32 {
      %dma_start3A = arith.constant 0 : i32
      %dma_start3A_9 = tpu.memref_slice %arg5[%scan3A_8, %dma_start3A] : memref<64x128xi32, #tpu.memory_space<vmem>> -> memref<1x128xi32, #tpu.memory_space<vmem>>
      %dma_start3A_10 = tpu.memref_squeeze %dma_start3A_9 : memref<1x128xi32, #tpu.memory_space<vmem>> -> memref<128xi32, #tpu.memory_space<vmem>>
      %dma_start3A_11 = arith.constant 0 : i32
      %dma_start3A_12 = arith.constant 0 : i32
      %dma_start3A_13 = tpu.memref_slice %arg2[%dma_start3A_11, %dma_start3A_12] : memref<32768x8xf32, #tpu.memory_space<hbm>> -> memref<32768x8xf32, #tpu.memory_space<hbm>>
      tpu.enqueue_indirect_dma source(%dma_start3A_13 : memref<32768x8xf32, #tpu.memory_space<hbm>>) target(%arg6 : memref<128x8xf32, #tpu.memory_space<vmem>>) offsets(%dma_start3A_10 : memref<128xi32, #tpu.memory_space<vmem>>) semaphore(%arg7 : memref<!tpu.dma_semaphore, #tpu.memory_space<semaphore_mem>>)
      %dma_wait3A = arith.constant 0 : i32
      %dma_wait3A_14 = tpu.memref_slice %arg5[%scan3A_8, %dma_wait3A] : memref<64x128xi32, #tpu.memory_space<vmem>> -> memref<1x128xi32, #tpu.memory_space<vmem>>
      %dma_wait3A_15 = tpu.memref_squeeze %dma_wait3A_14 : memref<1x128xi32, #tpu.memory_space<vmem>> -> memref<128xi32, #tpu.memory_space<vmem>>
      %dma_wait3A_16 = arith.constant 0 : i32
      %dma_wait3A_17 = arith.constant 0 : i32
      %dma_wait3A_18 = tpu.memref_slice %arg2[%dma_wait3A_16, %dma_wait3A_17] : memref<32768x8xf32, #tpu.memory_space<hbm>> -> memref<32768x8xf32, #tpu.memory_space<hbm>>
      tpu.wait_indirect_dma semaphore(%arg7 : memref<!tpu.dma_semaphore, #tpu.memory_space<semaphore_mem>>) src(%dma_wait3A_18 : memref<32768x8xf32, #tpu.memory_space<hbm>>) dst(%arg6 : memref<128x8xf32, #tpu.memory_space<vmem>>)
      %mul3A_19 = arith.constant 64 : i32
      %mul3A_20 = arith.muli %add3A, %mul3A_19 : i32
      %add3A_21 = arith.addi %mul3A_20, %scan3A_8 : i32
      %mul3A_22 = arith.constant 128 : i32
      %mul3A_23 = arith.muli %add3A_21, %mul3A_22 : i32
      "tpu.region"() ({
        %run_scoped3A = tpu.sem_alloc : memref<!tpu.dma_semaphore, #tpu.memory_space<semaphore_mem>>
        %dma_start3A_24 = arith.constant 0 : i32
        %dma_start3A_25 = tpu.memref_slice %arg4[%mul3A_23, %dma_start3A_24] : memref<262144x8xf32, #tpu.memory_space<hbm>> -> memref<128x8xf32, #tpu.memory_space<hbm>>
        %dma_start3A_26 = arith.constant 0 : i32
        %dma_start3A_27 = tpu.memref_slice %arg4[%mul3A_23, %dma_start3A_26] : memref<262144x8xf32, #tpu.memory_space<hbm>> -> memref<128x8xf32, #tpu.memory_space<hbm>>
        tpu.enqueue_dma source(%arg6 : memref<128x8xf32, #tpu.memory_space<vmem>>) target(%dma_start3A_27 : memref<128x8xf32, #tpu.memory_space<hbm>>) target_semaphore(%run_scoped3A : memref<!tpu.dma_semaphore, #tpu.memory_space<semaphore_mem>>)
        %dma_wait3A_28 = arith.constant 0 : i32
        %dma_wait3A_29 = tpu.memref_slice %arg4[%mul3A_23, %dma_wait3A_28] : memref<262144x8xf32, #tpu.memory_space<hbm>> -> memref<128x8xf32, #tpu.memory_space<hbm>>
        %dma_wait3A_30 = arith.constant 0 : i32
        %dma_wait3A_31 = tpu.memref_slice %arg4[%mul3A_23, %dma_wait3A_30] : memref<262144x8xf32, #tpu.memory_space<hbm>> -> memref<128x8xf32, #tpu.memory_space<hbm>>
        tpu.wait_dma2 semaphore(%run_scoped3A : memref<!tpu.dma_semaphore, #tpu.memory_space<semaphore_mem>>) src(%arg6 : memref<128x8xf32, #tpu.memory_space<vmem>>) dst(%dma_wait3A_31 : memref<128x8xf32, #tpu.memory_space<hbm>>)
        tpu.yield
      }) : () -> ()
    }
    %scan3A_7 = arith.constant 64 : i32
    return
  }
}

#map = affine_map<(d0, d1) -> (0, 0)>
module attributes {stable_mosaic.version = 14 : i64} {
  func.func @gk(%arg0: i32, %arg1: i32, %arg2: memref<4096x136xf32, #tpu.memory_space<hbm>>, %arg3: memref<512x128xi32, #tpu.memory_space<hbm>>, %arg4: memref<65536x136xf32, #tpu.memory_space<hbm>>, %arg5: memref<16x128xi32, #tpu.memory_space<vmem>>, %arg6: memref<128x136xf32, #tpu.memory_space<vmem>>, %arg7: memref<!tpu.dma_semaphore, #tpu.memory_space<semaphore_mem>>) attributes {dimension_semantics = [#tpu.dimension_semantics<core_parallel>, #tpu.dimension_semantics<subcore_parallel>], iteration_bounds = array<i64: 2, 16>, scalar_prefetch = 0 : i64, scratch_operands = 3 : i64, tpu.core_type = #tpu.core_type<sc_vector_subcore>, window_params = [{transform_indices = #map}, {transform_indices = #map}, {transform_indices = #map}]} {
    %mul3A = arith.constant 2 : i32
    %mul3A_0 = arith.muli %arg1, %mul3A : i32
    %add3A = arith.addi %mul3A_0, %arg0 : i32
    %mul3A_1 = arith.constant 16 : i32
    %mul3A_2 = arith.muli %add3A, %mul3A_1 : i32
    "tpu.region"() ({
      %run_scoped3A = tpu.sem_alloc : memref<!tpu.dma_semaphore, #tpu.memory_space<semaphore_mem>>
      %dma_start3A = arith.constant 0 : i32
      %dma_start3A_8 = tpu.memref_slice %arg3[%mul3A_2, %dma_start3A] : memref<512x128xi32, #tpu.memory_space<hbm>> -> memref<16x128xi32, #tpu.memory_space<hbm>>
      %dma_start3A_9 = arith.constant 0 : i32
      %dma_start3A_10 = tpu.memref_slice %arg3[%mul3A_2, %dma_start3A_9] : memref<512x128xi32, #tpu.memory_space<hbm>> -> memref<16x128xi32, #tpu.memory_space<hbm>>
      tpu.enqueue_dma source(%dma_start3A_10 : memref<16x128xi32, #tpu.memory_space<hbm>>) target(%arg5 : memref<16x128xi32, #tpu.memory_space<vmem>>) target_semaphore(%run_scoped3A : memref<!tpu.dma_semaphore, #tpu.memory_space<semaphore_mem>>)
      %dma_wait3A = arith.constant 0 : i32
      %dma_wait3A_11 = tpu.memref_slice %arg3[%mul3A_2, %dma_wait3A] : memref<512x128xi32, #tpu.memory_space<hbm>> -> memref<16x128xi32, #tpu.memory_space<hbm>>
      %dma_wait3A_12 = arith.constant 0 : i32
      %dma_wait3A_13 = tpu.memref_slice %arg3[%mul3A_2, %dma_wait3A_12] : memref<512x128xi32, #tpu.memory_space<hbm>> -> memref<16x128xi32, #tpu.memory_space<hbm>>
      tpu.wait_dma2 semaphore(%run_scoped3A : memref<!tpu.dma_semaphore, #tpu.memory_space<semaphore_mem>>) src(%dma_wait3A_13 : memref<16x128xi32, #tpu.memory_space<hbm>>) dst(%arg5 : memref<16x128xi32, #tpu.memory_space<vmem>>)
      tpu.yield
    }) : () -> ()
    %scan3A = arith.constant 0 : i32
    %scan3A_3 = arith.constant 0 : i32
    %scan3A_4 = arith.constant 16 : i32
    %scan3A_5 = arith.addi %scan3A_3, %scan3A_4 : i32
    %scan3A_6 = arith.constant 1 : i32
    scf.for %scan3A_8 = %scan3A_3 to %scan3A_5 step %scan3A_6  : i32 {
      %dma_start3A = arith.constant 0 : i32
      %dma_start3A_9 = tpu.memref_slice %arg5[%scan3A_8, %dma_start3A] : memref<16x128xi32, #tpu.memory_space<vmem>> -> memref<1x128xi32, #tpu.memory_space<vmem>>
      %dma_start3A_10 = tpu.memref_squeeze %dma_start3A_9 : memref<1x128xi32, #tpu.memory_space<vmem>> -> memref<128xi32, #tpu.memory_space<vmem>>
      %dma_start3A_11 = arith.constant 0 : i32
      %dma_start3A_12 = arith.constant 0 : i32
      %dma_start3A_13 = tpu.memref_slice %arg2[%dma_start3A_11, %dma_start3A_12] : memref<4096x136xf32, #tpu.memory_space<hbm>> -> memref<4096x136xf32, #tpu.memory_space<hbm>>
      tpu.enqueue_indirect_dma source(%dma_start3A_13 : memref<4096x136xf32, #tpu.memory_space<hbm>>) target(%arg6 : memref<128x136xf32, #tpu.memory_space<vmem>>) offsets(%dma_start3A_10 : memref<128xi32, #tpu.memory_space<vmem>>) semaphore(%arg7 : memref<!tpu.dma_semaphore, #tpu.memory_space<semaphore_mem>>)
      %dma_wait3A = arith.constant 0 : i32
      %dma_wait3A_14 = tpu.memref_slice %arg5[%scan3A_8, %dma_wait3A] : memref<16x128xi32, #tpu.memory_space<vmem>> -> memref<1x128xi32, #tpu.memory_space<vmem>>
      %dma_wait3A_15 = tpu.memref_squeeze %dma_wait3A_14 : memref<1x128xi32, #tpu.memory_space<vmem>> -> memref<128xi32, #tpu.memory_space<vmem>>
      %dma_wait3A_16 = arith.constant 0 : i32
      %dma_wait3A_17 = arith.constant 0 : i32
      %dma_wait3A_18 = tpu.memref_slice %arg2[%dma_wait3A_16, %dma_wait3A_17] : memref<4096x136xf32, #tpu.memory_space<hbm>> -> memref<4096x136xf32, #tpu.memory_space<hbm>>
      tpu.wait_indirect_dma semaphore(%arg7 : memref<!tpu.dma_semaphore, #tpu.memory_space<semaphore_mem>>) src(%dma_wait3A_18 : memref<4096x136xf32, #tpu.memory_space<hbm>>) dst(%arg6 : memref<128x136xf32, #tpu.memory_space<vmem>>)
      %mul3A_19 = arith.constant 16 : i32
      %mul3A_20 = arith.muli %add3A, %mul3A_19 : i32
      %add3A_21 = arith.addi %mul3A_20, %scan3A_8 : i32
      %mul3A_22 = arith.constant 128 : i32
      %mul3A_23 = arith.muli %add3A_21, %mul3A_22 : i32
      "tpu.region"() ({
        %run_scoped3A = tpu.sem_alloc : memref<!tpu.dma_semaphore, #tpu.memory_space<semaphore_mem>>
        %dma_start3A_24 = arith.constant 0 : i32
        %dma_start3A_25 = tpu.memref_slice %arg4[%mul3A_23, %dma_start3A_24] : memref<65536x136xf32, #tpu.memory_space<hbm>> -> memref<128x136xf32, #tpu.memory_space<hbm>>
        %dma_start3A_26 = arith.constant 0 : i32
        %dma_start3A_27 = tpu.memref_slice %arg4[%mul3A_23, %dma_start3A_26] : memref<65536x136xf32, #tpu.memory_space<hbm>> -> memref<128x136xf32, #tpu.memory_space<hbm>>
        tpu.enqueue_dma source(%arg6 : memref<128x136xf32, #tpu.memory_space<vmem>>) target(%dma_start3A_27 : memref<128x136xf32, #tpu.memory_space<hbm>>) target_semaphore(%run_scoped3A : memref<!tpu.dma_semaphore, #tpu.memory_space<semaphore_mem>>)
        %dma_wait3A_28 = arith.constant 0 : i32
        %dma_wait3A_29 = tpu.memref_slice %arg4[%mul3A_23, %dma_wait3A_28] : memref<65536x136xf32, #tpu.memory_space<hbm>> -> memref<128x136xf32, #tpu.memory_space<hbm>>
        %dma_wait3A_30 = arith.constant 0 : i32
        %dma_wait3A_31 = tpu.memref_slice %arg4[%mul3A_23, %dma_wait3A_30] : memref<65536x136xf32, #tpu.memory_space<hbm>> -> memref<128x136xf32, #tpu.memory_space<hbm>>
        tpu.wait_dma2 semaphore(%run_scoped3A : memref<!tpu.dma_semaphore, #tpu.memory_space<semaphore_mem>>) src(%arg6 : memref<128x136xf32, #tpu.memory_space<vmem>>) dst(%dma_wait3A_31 : memref<128x136xf32, #tpu.memory_space<hbm>>)
        tpu.yield
      }) : () -> ()
    }
    %scan3A_7 = arith.constant 16 : i32
    return
  }
}

module attributes {stable_mosaic.version = 14 : i64} {
  func.func @_fps_body(%arg0: memref<3x8x4096xf32, #tpu.memory_space<vmem>>, %arg1: memref<3x8x512xf32, #tpu.memory_space<vmem>>) attributes {dimension_semantics = [], scalar_prefetch = 0 : i64, scratch_operands = 0 : i64, tpu.core_type = #tpu.core_type<tc>} {
    %get3A = arith.constant 0 : index
    %get3A_0 = arith.constant 0 : index
    %get3A_1 = arith.constant 0 : index
    %get3A_2 = vector.load %arg0[%get3A, %get3A_0, %get3A_1] : memref<3x8x4096xf32, #tpu.memory_space<vmem>>, vector<1x8x4096xf32>
    %get3A_3 = vector.shape_cast %get3A_2 : vector<1x8x4096xf32> to vector<8x4096xf32>
    %get3A_4 = arith.constant 1 : index
    %get3A_5 = arith.constant 0 : index
    %get3A_6 = arith.constant 0 : index
    %get3A_7 = vector.load %arg0[%get3A_4, %get3A_5, %get3A_6] : memref<3x8x4096xf32, #tpu.memory_space<vmem>>, vector<1x8x4096xf32>
    %get3A_8 = vector.shape_cast %get3A_7 : vector<1x8x4096xf32> to vector<8x4096xf32>
    %get3A_9 = arith.constant 2 : index
    %get3A_10 = arith.constant 0 : index
    %get3A_11 = arith.constant 0 : index
    %get3A_12 = vector.load %arg0[%get3A_9, %get3A_10, %get3A_11] : memref<3x8x4096xf32, #tpu.memory_space<vmem>>, vector<1x8x4096xf32>
    %get3A_13 = vector.shape_cast %get3A_12 : vector<1x8x4096xf32> to vector<8x4096xf32>
    %iota3A = tpu.iota {dimensions = array<i32: 1>} : vector<8x4096xi32>
    %iota3A_14 = tpu.iota {dimensions = array<i32: 1>} : vector<8x512xi32>
    %broadcast_in_dim3A = arith.constant 0.000000e+00 : f32
    %broadcast_in_dim3A_15 = vector.broadcast %broadcast_in_dim3A : f32 to vector<3x8x512xf32>
    %swap3A = arith.constant 0 : index
    %swap3A_16 = arith.constant 0 : index
    %swap3A_17 = arith.constant 0 : index
    %swap3A_18 = vector.load %arg1[%swap3A, %swap3A_16, %swap3A_17] : memref<3x8x512xf32, #tpu.memory_space<vmem>>, vector<3x8x512xf32>
    tpu.vector_store %arg1[%swap3A, %swap3A_16, %swap3A_17], %broadcast_in_dim3A_15 {strides = array<i32>} : memref<3x8x512xf32, #tpu.memory_space<vmem>>, vector<3x8x512xf32>,
    %broadcast_in_dim3A_19 = arith.constant 1.000000e+10 : f32
    %broadcast_in_dim3A_20 = vector.broadcast %broadcast_in_dim3A_19 : f32 to vector<8x4096xf32>
    %broadcast_in_dim3A_21 = arith.constant 0 : i32
    %broadcast_in_dim3A_22 = vector.broadcast %broadcast_in_dim3A_21 : i32 to vector<8x1xi32>
    %scan3A = arith.constant 0 : i32
    %scan3A_23 = arith.constant 512 : i32
    %scan3A_24 = arith.addi %scan3A, %scan3A_23 : i32
    %scan3A_25 = arith.constant 1 : i32
    %scan3A_26:2 = scf.for %scan3A_28 = %scan3A to %scan3A_24 step %scan3A_25 iter_args(%scan3A_29 = %broadcast_in_dim3A_20, %scan3A_30 = %broadcast_in_dim3A_22) -> (vector<8x4096xf32>, vector<8x1xi32>)  : i32 {
      %eq3A = vector.broadcast %scan3A_30 : vector<8x1xi32> to vector<8x4096xi32>
      %eq3A_31 = arith.cmpi eq, %iota3A, %eq3A : vector<8x4096xi32>
      %convert_element_type3A = arith.extui %eq3A_31 : vector<8x4096xi1> to vector<8x4096xi32>
      %convert_element_type3A_32 = arith.sitofp %convert_element_type3A : vector<8x4096xi32> to vector<8x4096xf32>
      %mul3A = arith.mulf %get3A_3, %convert_element_type3A_32 : vector<8x4096xf32>
      %reduce_sum3A = arith.constant dense<0.000000e+00> : vector<8xf32>
      %reduce_sum3A_33 = vector.multi_reduction <add>, %mul3A, %reduce_sum3A [1] : vector<8x4096xf32> to vector<8xf32>
      %broadcast_in_dim3A_34 = vector.shape_cast %reduce_sum3A_33 : vector<8xf32> to vector<8x1xf32>
      %mul3A_35 = arith.mulf %get3A_8, %convert_element_type3A_32 : vector<8x4096xf32>
      %reduce_sum3A_36 = arith.constant dense<0.000000e+00> : vector<8xf32>
      %reduce_sum3A_37 = vector.multi_reduction <add>, %mul3A_35, %reduce_sum3A_36 [1] : vector<8x4096xf32> to vector<8xf32>
      %broadcast_in_dim3A_38 = vector.shape_cast %reduce_sum3A_37 : vector<8xf32> to vector<8x1xf32>
      %mul3A_39 = arith.mulf %get3A_13, %convert_element_type3A_32 : vector<8x4096xf32>
      %reduce_sum3A_40 = arith.constant dense<0.000000e+00> : vector<8xf32>
      %reduce_sum3A_41 = vector.multi_reduction <add>, %mul3A_39, %reduce_sum3A_40 [1] : vector<8x4096xf32> to vector<8xf32>
      %broadcast_in_dim3A_42 = vector.shape_cast %reduce_sum3A_41 : vector<8xf32> to vector<8x1xf32>
      %eq3A_43 = vector.broadcast %scan3A_28 : i32 to vector<8x512xi32>
      %eq3A_44 = arith.cmpi eq, %iota3A_14, %eq3A_43 : vector<8x512xi32>
      %convert_element_type3A_45 = arith.extui %eq3A_44 : vector<8x512xi1> to vector<8x512xi32>
      %convert_element_type3A_46 = arith.sitofp %convert_element_type3A_45 : vector<8x512xi32> to vector<8x512xf32>
      %get3A_47 = arith.constant 0 : index
      %get3A_48 = arith.constant 0 : index
      %get3A_49 = arith.constant 0 : index
      %get3A_50 = vector.load %arg1[%get3A_47, %get3A_48, %get3A_49] : memref<3x8x512xf32, #tpu.memory_space<vmem>>, vector<1x8x512xf32>
      %get3A_51 = vector.shape_cast %get3A_50 : vector<1x8x512xf32> to vector<8x512xf32>
      %mul3A_52 = vector.broadcast %broadcast_in_dim3A_34 : vector<8x1xf32> to vector<8x512xf32>
      %mul3A_53 = arith.mulf %mul3A_52, %convert_element_type3A_46 : vector<8x512xf32>
      %add3A = arith.addf %get3A_51, %mul3A_53 : vector<8x512xf32>
      %swap3A_54 = arith.constant 0 : index
      %swap3A_55 = arith.constant 0 : index
      %swap3A_56 = arith.constant 0 : index
      %swap3A_57 = vector.load %arg1[%swap3A_54, %swap3A_55, %swap3A_56] : memref<3x8x512xf32, #tpu.memory_space<vmem>>, vector<1x8x512xf32>
      %swap3A_58 = vector.shape_cast %swap3A_57 : vector<1x8x512xf32> to vector<8x512xf32>
      %swap3A_59 = vector.shape_cast %add3A : vector<8x512xf32> to vector<1x8x512xf32>
      tpu.vector_store %arg1[%swap3A_54, %swap3A_55, %swap3A_56], %swap3A_59 {strides = array<i32>} : memref<3x8x512xf32, #tpu.memory_space<vmem>>, vector<1x8x512xf32>,
      %get3A_60 = arith.constant 1 : index
      %get3A_61 = arith.constant 0 : index
      %get3A_62 = arith.constant 0 : index
      %get3A_63 = vector.load %arg1[%get3A_60, %get3A_61, %get3A_62] : memref<3x8x512xf32, #tpu.memory_space<vmem>>, vector<1x8x512xf32>
      %get3A_64 = vector.shape_cast %get3A_63 : vector<1x8x512xf32> to vector<8x512xf32>
      %mul3A_65 = vector.broadcast %broadcast_in_dim3A_38 : vector<8x1xf32> to vector<8x512xf32>
      %mul3A_66 = arith.mulf %mul3A_65, %convert_element_type3A_46 : vector<8x512xf32>
      %add3A_67 = arith.addf %get3A_64, %mul3A_66 : vector<8x512xf32>
      %swap3A_68 = arith.constant 1 : index
      %swap3A_69 = arith.constant 0 : index
      %swap3A_70 = arith.constant 0 : index
      %swap3A_71 = vector.load %arg1[%swap3A_68, %swap3A_69, %swap3A_70] : memref<3x8x512xf32, #tpu.memory_space<vmem>>, vector<1x8x512xf32>
      %swap3A_72 = vector.shape_cast %swap3A_71 : vector<1x8x512xf32> to vector<8x512xf32>
      %swap3A_73 = vector.shape_cast %add3A_67 : vector<8x512xf32> to vector<1x8x512xf32>
      tpu.vector_store %arg1[%swap3A_68, %swap3A_69, %swap3A_70], %swap3A_73 {strides = array<i32>} : memref<3x8x512xf32, #tpu.memory_space<vmem>>, vector<1x8x512xf32>,
      %get3A_74 = arith.constant 2 : index
      %get3A_75 = arith.constant 0 : index
      %get3A_76 = arith.constant 0 : index
      %get3A_77 = vector.load %arg1[%get3A_74, %get3A_75, %get3A_76] : memref<3x8x512xf32, #tpu.memory_space<vmem>>, vector<1x8x512xf32>
      %get3A_78 = vector.shape_cast %get3A_77 : vector<1x8x512xf32> to vector<8x512xf32>
      %mul3A_79 = vector.broadcast %broadcast_in_dim3A_42 : vector<8x1xf32> to vector<8x512xf32>
      %mul3A_80 = arith.mulf %mul3A_79, %convert_element_type3A_46 : vector<8x512xf32>
      %add3A_81 = arith.addf %get3A_78, %mul3A_80 : vector<8x512xf32>
      %swap3A_82 = arith.constant 2 : index
      %swap3A_83 = arith.constant 0 : index
      %swap3A_84 = arith.constant 0 : index
      %swap3A_85 = vector.load %arg1[%swap3A_82, %swap3A_83, %swap3A_84] : memref<3x8x512xf32, #tpu.memory_space<vmem>>, vector<1x8x512xf32>
      %swap3A_86 = vector.shape_cast %swap3A_85 : vector<1x8x512xf32> to vector<8x512xf32>
      %swap3A_87 = vector.shape_cast %add3A_81 : vector<8x512xf32> to vector<1x8x512xf32>
      tpu.vector_store %arg1[%swap3A_82, %swap3A_83, %swap3A_84], %swap3A_87 {strides = array<i32>} : memref<3x8x512xf32, #tpu.memory_space<vmem>>, vector<1x8x512xf32>,
      %sub3A = vector.broadcast %broadcast_in_dim3A_34 : vector<8x1xf32> to vector<8x4096xf32>
      %sub3A_88 = arith.subf %get3A_3, %sub3A : vector<8x4096xf32>
      %sub3A_89 = vector.broadcast %broadcast_in_dim3A_38 : vector<8x1xf32> to vector<8x4096xf32>
      %sub3A_90 = arith.subf %get3A_8, %sub3A_89 : vector<8x4096xf32>
      %sub3A_91 = vector.broadcast %broadcast_in_dim3A_42 : vector<8x1xf32> to vector<8x4096xf32>
      %sub3A_92 = arith.subf %get3A_13, %sub3A_91 : vector<8x4096xf32>
      %mul3A_93 = arith.mulf %sub3A_88, %sub3A_88 : vector<8x4096xf32>
      %mul3A_94 = arith.mulf %sub3A_90, %sub3A_90 : vector<8x4096xf32>
      %add3A_95 = arith.addf %mul3A_93, %mul3A_94 : vector<8x4096xf32>
      %mul3A_96 = arith.mulf %sub3A_92, %sub3A_92 : vector<8x4096xf32>
      %add3A_97 = arith.addf %add3A_95, %mul3A_96 : vector<8x4096xf32>
      %min3A = arith.minimumf %scan3A_29, %add3A_97 : vector<8x4096xf32>
      %reduce_max3A = arith.constant dense<0xFF800000> : vector<8xf32>
      %reduce_max3A_98 = vector.multi_reduction <maximumf>, %min3A, %reduce_max3A [1] : vector<8x4096xf32> to vector<8xf32>
      %broadcast_in_dim3A_99 = vector.shape_cast %reduce_max3A_98 : vector<8xf32> to vector<8x1xf32>
      %eq3A_100 = vector.broadcast %broadcast_in_dim3A_99 : vector<8x1xf32> to vector<8x4096xf32>
      %eq3A_101 = arith.cmpf oeq, %min3A, %eq3A_100 : vector<8x4096xf32>
      %jit3A = arith.constant 4096 : i32
      %broadcast_in_dim3A_102 = vector.broadcast %jit3A : i32 to vector<8x4096xi32>
      %select_n3A = arith.select %eq3A_101, %iota3A, %broadcast_in_dim3A_102 : vector<8x4096xi1>, vector<8x4096xi32>
      %reduce_min3A = arith.constant dense<2147483647> : vector<8xi32>
      %reduce_min3A_103 = vector.multi_reduction <minsi>, %select_n3A, %reduce_min3A [1] : vector<8x4096xi32> to vector<8xi32>
      %broadcast_in_dim3A_104 = vector.shape_cast %reduce_min3A_103 : vector<8xi32> to vector<8x1xi32>
      scf.yield %min3A, %broadcast_in_dim3A_104 : vector<8x4096xf32>, vector<8x1xi32>
    }
    %scan3A_27 = arith.constant 512 : i32
    return
  }
}

module attributes {stable_mosaic.version = 14 : i64} {
  func.func @_bq_body(%arg0: i32, %arg1: i32, %arg2: memref<1x3x32x128xf32, #tpu.memory_space<vmem>>, %arg3: memref<1x32x3xf32, #tpu.memory_space<vmem>>, %arg4: memref<128x128xf32, #tpu.memory_space<vmem>>, %arg5: memref<32x32xf32, #tpu.memory_space<vmem>>, %arg6: memref<1x32x64xi32, #tpu.memory_space<vmem>>) attributes {dimension_semantics = [#tpu.dimension_semantics<arbitrary>, #tpu.dimension_semantics<arbitrary>], iteration_bounds = array<i64: 8, 16>, scalar_prefetch = 0 : i64, scratch_operands = 0 : i64, tpu.core_type = #tpu.core_type<tc>, window_params = [{transform_indices = @transform_0, window_bounds = array<i64: 1, 3, 32, 128>}, {transform_indices = @transform_1, window_bounds = array<i64: 1, 32, 3>}, {pipeline_mode = #tpu.pipeline_mode<synchronous>, transform_indices = @transform_2, window_bounds = array<i64: 128, 128>}, {pipeline_mode = #tpu.pipeline_mode<synchronous>, transform_indices = @transform_3, window_bounds = array<i64: 32, 32>}, {transform_indices = @transform_4, window_bounds = array<i64: 1, 32, 64>}]} {
    %get3A = arith.constant 0 : index
    %get3A_0 = arith.constant 0 : index
    %get3A_1 = arith.constant 0 : index
    %get3A_2 = arith.constant 0 : index
    %get3A_3 = vector.load %arg2[%get3A, %get3A_0, %get3A_1, %get3A_2] : memref<1x3x32x128xf32, #tpu.memory_space<vmem>>, vector<1x1x32x128xf32>
    %get3A_4 = vector.shape_cast %get3A_3 : vector<1x1x32x128xf32> to vector<32x128xf32>
    %broadcast_in_dim3A = vector.shape_cast %get3A_4 : vector<32x128xf32> to vector<1x32x128xf32>
    %get3A_5 = arith.constant 0 : index
    %get3A_6 = arith.constant 1 : index
    %get3A_7 = arith.constant 0 : index
    %get3A_8 = arith.constant 0 : index
    %get3A_9 = vector.load %arg2[%get3A_5, %get3A_6, %get3A_7, %get3A_8] : memref<1x3x32x128xf32, #tpu.memory_space<vmem>>, vector<1x1x32x128xf32>
    %get3A_10 = vector.shape_cast %get3A_9 : vector<1x1x32x128xf32> to vector<32x128xf32>
    %broadcast_in_dim3A_11 = vector.shape_cast %get3A_10 : vector<32x128xf32> to vector<1x32x128xf32>
    %get3A_12 = arith.constant 0 : index
    %get3A_13 = arith.constant 2 : index
    %get3A_14 = arith.constant 0 : index
    %get3A_15 = arith.constant 0 : index
    %get3A_16 = vector.load %arg2[%get3A_12, %get3A_13, %get3A_14, %get3A_15] : memref<1x3x32x128xf32, #tpu.memory_space<vmem>>, vector<1x1x32x128xf32>
    %get3A_17 = vector.shape_cast %get3A_16 : vector<1x1x32x128xf32> to vector<32x128xf32>
    %broadcast_in_dim3A_18 = vector.shape_cast %get3A_17 : vector<32x128xf32> to vector<1x32x128xf32>
    %get3A_19 = arith.constant 0 : index
    %get3A_20 = arith.constant 0 : index
    %get3A_21 = arith.constant 0 : index
    %get3A_22 = vector.load %arg3[%get3A_19, %get3A_20, %get3A_21] : memref<1x32x3xf32, #tpu.memory_space<vmem>>, vector<1x32x3xf32>
    %get3A_23 = vector.shape_cast %get3A_22 : vector<1x32x3xf32> to vector<32x3xf32>
    %slice3A = vector.extract_strided_slice %get3A_23 {offsets = [0, 0], sizes = [32, 1], strides = [1, 1]} : vector<32x3xf32> to vector<32x1xf32>
    %reshape3A = vector.shape_cast %slice3A : vector<32x1xf32> to vector<32x1x1xf32>
    %slice3A_24 = vector.extract_strided_slice %get3A_23 {offsets = [0, 1], sizes = [32, 1], strides = [1, 1]} : vector<32x3xf32> to vector<32x1xf32>
    %reshape3A_25 = vector.shape_cast %slice3A_24 : vector<32x1xf32> to vector<32x1x1xf32>
    %slice3A_26 = vector.extract_strided_slice %get3A_23 {offsets = [0, 2], sizes = [32, 1], strides = [1, 1]} : vector<32x3xf32> to vector<32x1xf32>
    %reshape3A_27 = vector.shape_cast %slice3A_26 : vector<32x1xf32> to vector<32x1x1xf32>
    %sub3A = vector.broadcast %reshape3A : vector<32x1x1xf32> to vector<32x32x128xf32>
    %sub3A_28 = vector.broadcast %broadcast_in_dim3A : vector<1x32x128xf32> to vector<32x32x128xf32>
    %sub3A_29 = arith.subf %sub3A, %sub3A_28 : vector<32x32x128xf32>
    %sub3A_30 = vector.broadcast %reshape3A_25 : vector<32x1x1xf32> to vector<32x32x128xf32>
    %sub3A_31 = vector.broadcast %broadcast_in_dim3A_11 : vector<1x32x128xf32> to vector<32x32x128xf32>
    %sub3A_32 = arith.subf %sub3A_30, %sub3A_31 : vector<32x32x128xf32>
    %sub3A_33 = vector.broadcast %reshape3A_27 : vector<32x1x1xf32> to vector<32x32x128xf32>
    %sub3A_34 = vector.broadcast %broadcast_in_dim3A_18 : vector<1x32x128xf32> to vector<32x32x128xf32>
    %sub3A_35 = arith.subf %sub3A_33, %sub3A_34 : vector<32x32x128xf32>
    %mul3A = arith.mulf %sub3A_29, %sub3A_29 : vector<32x32x128xf32>
    %mul3A_36 = arith.mulf %sub3A_32, %sub3A_32 : vector<32x32x128xf32>
    %add3A = arith.addf %mul3A, %mul3A_36 : vector<32x32x128xf32>
    %mul3A_37 = arith.mulf %sub3A_35, %sub3A_35 : vector<32x32x128xf32>
    %add3A_38 = arith.addf %add3A, %mul3A_37 : vector<32x32x128xf32>
    %le3A = arith.constant 2.250000e-04 : f32
    %le3A_39 = vector.broadcast %le3A : f32 to vector<32x32x128xf32>
    %le3A_40 = arith.cmpf ole, %add3A_38, %le3A_39 : vector<32x32x128xf32>
    %convert_element_type3A = arith.extui %le3A_40 : vector<32x32x128xi1> to vector<32x32x128xi32>
    %convert_element_type3A_41 = arith.sitofp %convert_element_type3A : vector<32x32x128xi32> to vector<32x32x128xf32>
    %reshape3A_42 = vector.shape_cast %convert_element_type3A_41 : vector<32x32x128xf32> to vector<1024x128xf32>
    %get3A_43 = arith.constant 0 : index
    %get3A_44 = arith.constant 0 : index
    %get3A_45 = vector.load %arg4[%get3A_43, %get3A_44] : memref<128x128xf32, #tpu.memory_space<vmem>>, vector<128x128xf32>
    %dot_general3A = arith.constant dense<0.000000e+00> : vector<1024x128xf32>
    %dot_general3A_46 = tpu.matmul %reshape3A_42, %get3A_45, %dot_general3A {dimension_numbers = #tpu.dot_dimension_numbers<[1], [0], [0], [1], [0, 0, 1, 1], [], []>, transpose_lhs_hint = false} : vector<1024x128xf32>, vector<128x128xf32>, vector<1024x128xf32> -> vector<1024x128xf32>
    %reduce_sum3A = arith.constant dense<0.000000e+00> : vector<32x32xf32>
    %reduce_sum3A_47 = vector.multi_reduction <add>, %convert_element_type3A_41, %reduce_sum3A [2] : vector<32x32x128xf32> to vector<32x32xf32>
    %get3A_48 = arith.constant 0 : index
    %get3A_49 = arith.constant 0 : index
    %get3A_50 = vector.load %arg5[%get3A_48, %get3A_49] : memref<32x32xf32, #tpu.memory_space<vmem>>, vector<32x32xf32>
    %dot_general3A_51 = arith.constant dense<0.000000e+00> : vector<32x32xf32>
    %dot_general3A_52 = tpu.matmul %reduce_sum3A_47, %get3A_50, %dot_general3A_51 {dimension_numbers = #tpu.dot_dimension_numbers<[1], [0], [0], [1], [0, 0, 1, 1], [], []>, transpose_lhs_hint = false} : vector<32x32xf32>, vector<32x32xf32>, vector<32x32xf32> -> vector<32x32xf32>
    %reshape3A_53 = vector.shape_cast %dot_general3A_46 : vector<1024x128xf32> to vector<32x32x128xf32>
    %iota3A = tpu.iota {dimensions = array<i32: 1>} : vector<1x64x1xi32>
    %convert_element_type3A_54 = arith.sitofp %iota3A : vector<1x64x1xi32> to vector<1x64x1xf32>
    %broadcast_in_dim3A_55 = vector.shape_cast %dot_general3A_52 : vector<32x32xf32> to vector<32x1x32xf32>
    %le3A_56 = vector.broadcast %broadcast_in_dim3A_55 : vector<32x1x32xf32> to vector<32x64x32xf32>
    %le3A_57 = vector.broadcast %convert_element_type3A_54 : vector<1x64x1xf32> to vector<32x64x32xf32>
    %le3A_58 = arith.cmpf ole, %le3A_56, %le3A_57 : vector<32x64x32xf32>
    %convert_element_type3A_59 = arith.extui %le3A_58 : vector<32x64x32xi1> to vector<32x64x32xi32>
    %convert_element_type3A_60 = arith.sitofp %convert_element_type3A_59 : vector<32x64x32xi32> to vector<32x64x32xf32>
    %reduce_sum3A_61 = arith.constant dense<0.000000e+00> : vector<32x64xf32>
    %reduce_sum3A_62 = vector.multi_reduction <add>, %convert_element_type3A_60, %reduce_sum3A_61 [2] : vector<32x64x32xf32> to vector<32x64xf32>
    %broadcast_in_dim3A_63 = vector.shape_cast %reduce_sum3A_62 : vector<32x64xf32> to vector<32x64x1xf32>
    %broadcast_in_dim3A_64 = arith.constant 1.000000e+00 : f32
    %broadcast_in_dim3A_65 = vector.broadcast %broadcast_in_dim3A_64 : f32 to vector<32x64x1xf32>
    %slice3A_66 = vector.extract_strided_slice %convert_element_type3A_60 {offsets = [0, 0, 0], sizes = [32, 64, 31], strides = [1, 1, 1]} : vector<32x64x32xf32> to vector<32x64x31xf32>
    %concatenate3A = tpu.concatenate %broadcast_in_dim3A_65, %slice3A_66 in 2 : vector<32x64x1xf32>, vector<32x64x31xf32> -> vector<32x64x32xf32>
    %sub3A_67 = arith.subf %concatenate3A, %convert_element_type3A_60 : vector<32x64x32xf32>
    %dot_general3A_68 = arith.constant dense<0.000000e+00> : vector<32x64x128xf32>
    %dot_general3A_69 = tpu.matmul %sub3A_67, %reshape3A_53, %dot_general3A_68 {dimension_numbers = #tpu.dot_dimension_numbers<[2], [1], [1], [2], [0, 0, 0, 1, 1, 2], [0], [0]>, transpose_lhs_hint = false} : vector<32x64x32xf32>, vector<32x32x128xf32>, vector<32x64x128xf32> -> vector<32x64x128xf32>
    %sub3A_70 = arith.subf %dot_general3A_52, %reduce_sum3A_47 : vector<32x32xf32>
    %broadcast_in_dim3A_71 = vector.shape_cast %sub3A_70 : vector<32x32xf32> to vector<32x1x32xf32>
    %mul3A_72 = vector.broadcast %broadcast_in_dim3A_71 : vector<32x1x32xf32> to vector<32x64x32xf32>
    %mul3A_73 = arith.mulf %sub3A_67, %mul3A_72 : vector<32x64x32xf32>
    %reduce_sum3A_74 = arith.constant dense<0.000000e+00> : vector<32x64xf32>
    %reduce_sum3A_75 = vector.multi_reduction <add>, %mul3A_73, %reduce_sum3A_74 [2] : vector<32x64x32xf32> to vector<32x64xf32>
    %broadcast_in_dim3A_76 = vector.shape_cast %reduce_sum3A_75 : vector<32x64xf32> to vector<32x64x1xf32>
    %add3A_77 = vector.broadcast %broadcast_in_dim3A_76 : vector<32x64x1xf32> to vector<32x64x128xf32>
    %add3A_78 = arith.addf %dot_general3A_69, %add3A_77 : vector<32x64x128xf32>
    %le3A_79 = vector.broadcast %convert_element_type3A_54 : vector<1x64x1xf32> to vector<32x64x128xf32>
    %le3A_80 = arith.cmpf ole, %add3A_78, %le3A_79 : vector<32x64x128xf32>
    %convert_element_type3A_81 = arith.extui %le3A_80 : vector<32x64x128xi1> to vector<32x64x128xi32>
    %convert_element_type3A_82 = arith.sitofp %convert_element_type3A_81 : vector<32x64x128xi32> to vector<32x64x128xf32>
    %reduce_sum3A_83 = arith.constant dense<0.000000e+00> : vector<32x64xf32>
    %reduce_sum3A_84 = vector.multi_reduction <add>, %convert_element_type3A_82, %reduce_sum3A_83 [2] : vector<32x64x128xf32> to vector<32x64xf32>
    %broadcast_in_dim3A_85 = vector.shape_cast %reduce_sum3A_84 : vector<32x64xf32> to vector<32x64x1xf32>
    %squeeze3A = vector.shape_cast %broadcast_in_dim3A_63 : vector<32x64x1xf32> to vector<32x64xf32>
    %mul3A_86 = arith.constant 1.280000e+02 : f32
    %mul3A_87 = vector.broadcast %mul3A_86 : f32 to vector<32x64xf32>
    %mul3A_88 = arith.mulf %mul3A_87, %squeeze3A : vector<32x64xf32>
    %squeeze3A_89 = vector.shape_cast %broadcast_in_dim3A_85 : vector<32x64x1xf32> to vector<32x64xf32>
    %add3A_90 = arith.addf %mul3A_88, %squeeze3A_89 : vector<32x64xf32>
    %slice3A_91 = vector.extract_strided_slice %add3A_90 {offsets = [0, 0], sizes = [32, 1], strides = [1, 1]} : vector<32x64xf32> to vector<32x1xf32>
    %ge3A = arith.constant 4.096000e+03 : f32
    %ge3A_92 = vector.broadcast %ge3A : f32 to vector<32x64xf32>
    %ge3A_93 = arith.cmpf oge, %add3A_90, %ge3A_92 : vector<32x64xf32>
    %broadcast_in_dim3A_94 = vector.shape_cast %slice3A_91 : vector<32x1xf32> to vector<32x1xf32>
    %broadcast_in_dim3A_95 = vector.broadcast %broadcast_in_dim3A_94 : vector<32x1xf32> to vector<32x64xf32>
    %select_n3A = arith.select %ge3A_93, %broadcast_in_dim3A_95, %add3A_90 : vector<32x64xi1>, vector<32x64xf32>
    %convert_element_type3A_96 = arith.fptosi %select_n3A : vector<32x64xf32> to vector<32x64xi32>
    %mul3A_97 = arith.constant 4096 : i32
    %mul3A_98 = arith.muli %arg0, %mul3A_97 : i32
    %add3A_99 = vector.broadcast %mul3A_98 : i32 to vector<32x64xi32>
    %add3A_100 = arith.addi %convert_element_type3A_96, %add3A_99 : vector<32x64xi32>
    %swap3A = arith.constant 0 : index
    %swap3A_101 = arith.constant 0 : index
    %swap3A_102 = arith.constant 0 : index
    %swap3A_103 = vector.load %arg6[%swap3A, %swap3A_101, %swap3A_102] : memref<1x32x64xi32, #tpu.memory_space<vmem>>, vector<1x32x64xi32>
    %swap3A_104 = vector.shape_cast %swap3A_103 : vector<1x32x64xi32> to vector<32x64xi32>
    %swap3A_105 = vector.shape_cast %add3A_100 : vector<32x64xi32> to vector<1x32x64xi32>
    tpu.vector_store %arg6[%swap3A, %swap3A_101, %swap3A_102], %swap3A_105 {strides = array<i32>} : memref<1x32x64xi32, #tpu.memory_space<vmem>>, vector<1x32x64xi32>,
    return
  }
  func.func @transform_0(%arg0: i32, %arg1: i32) -> (i32, i32, i32, i32) {
    %c0_i32 = arith.constant 0 : i32
    %c0_i32_0 = arith.constant 0 : i32
    %c0_i32_1 = arith.constant 0 : i32
    %c0_i32_2 = arith.constant 0 : i32
    return %arg0, %c0_i32, %c0_i32_0, %c0_i32_1 : i32, i32, i32, i32
  }
  func.func @transform_1(%arg0: i32, %arg1: i32) -> (i32, i32, i32) {
    %c0_i32 = arith.constant 0 : i32
    %c0_i32_0 = arith.constant 0 : i32
    return %arg0, %arg1, %c0_i32 : i32, i32, i32
  }
  func.func @transform_2(%arg0: i32, %arg1: i32) -> (i32, i32) {
    %c0_i32 = arith.constant 0 : i32
    %c0_i32_0 = arith.constant 0 : i32
    %c0_i32_1 = arith.constant 0 : i32
    return %c0_i32, %c0_i32_0 : i32, i32
  }
  func.func @transform_3(%arg0: i32, %arg1: i32) -> (i32, i32) {
    %c0_i32 = arith.constant 0 : i32
    %c0_i32_0 = arith.constant 0 : i32
    %c0_i32_1 = arith.constant 0 : i32
    return %c0_i32, %c0_i32_0 : i32, i32
  }
  func.func @transform_4(%arg0: i32, %arg1: i32) -> (i32, i32, i32) {
    %c0_i32 = arith.constant 0 : i32
    %c0_i32_0 = arith.constant 0 : i32
    return %arg0, %arg1, %c0_i32 : i32, i32, i32
  }
}

module attributes {stable_mosaic.version = 14 : i64} {
  func.func @_fps_body(%arg0: memref<3x8x512xf32, #tpu.memory_space<vmem>>, %arg1: memref<3x8x128xf32, #tpu.memory_space<vmem>>) attributes {dimension_semantics = [], scalar_prefetch = 0 : i64, scratch_operands = 0 : i64, tpu.core_type = #tpu.core_type<tc>} {
    %get3A = arith.constant 0 : index
    %get3A_0 = arith.constant 0 : index
    %get3A_1 = arith.constant 0 : index
    %get3A_2 = vector.load %arg0[%get3A, %get3A_0, %get3A_1] : memref<3x8x512xf32, #tpu.memory_space<vmem>>, vector<1x8x512xf32>
    %get3A_3 = vector.shape_cast %get3A_2 : vector<1x8x512xf32> to vector<8x512xf32>
    %get3A_4 = arith.constant 1 : index
    %get3A_5 = arith.constant 0 : index
    %get3A_6 = arith.constant 0 : index
    %get3A_7 = vector.load %arg0[%get3A_4, %get3A_5, %get3A_6] : memref<3x8x512xf32, #tpu.memory_space<vmem>>, vector<1x8x512xf32>
    %get3A_8 = vector.shape_cast %get3A_7 : vector<1x8x512xf32> to vector<8x512xf32>
    %get3A_9 = arith.constant 2 : index
    %get3A_10 = arith.constant 0 : index
    %get3A_11 = arith.constant 0 : index
    %get3A_12 = vector.load %arg0[%get3A_9, %get3A_10, %get3A_11] : memref<3x8x512xf32, #tpu.memory_space<vmem>>, vector<1x8x512xf32>
    %get3A_13 = vector.shape_cast %get3A_12 : vector<1x8x512xf32> to vector<8x512xf32>
    %iota3A = tpu.iota {dimensions = array<i32: 1>} : vector<8x512xi32>
    %iota3A_14 = tpu.iota {dimensions = array<i32: 1>} : vector<8x128xi32>
    %broadcast_in_dim3A = arith.constant 0.000000e+00 : f32
    %broadcast_in_dim3A_15 = vector.broadcast %broadcast_in_dim3A : f32 to vector<3x8x128xf32>
    %swap3A = arith.constant 0 : index
    %swap3A_16 = arith.constant 0 : index
    %swap3A_17 = arith.constant 0 : index
    %swap3A_18 = vector.load %arg1[%swap3A, %swap3A_16, %swap3A_17] : memref<3x8x128xf32, #tpu.memory_space<vmem>>, vector<3x8x128xf32>
    tpu.vector_store %arg1[%swap3A, %swap3A_16, %swap3A_17], %broadcast_in_dim3A_15 {strides = array<i32>} : memref<3x8x128xf32, #tpu.memory_space<vmem>>, vector<3x8x128xf32>,
    %broadcast_in_dim3A_19 = arith.constant 1.000000e+10 : f32
    %broadcast_in_dim3A_20 = vector.broadcast %broadcast_in_dim3A_19 : f32 to vector<8x512xf32>
    %broadcast_in_dim3A_21 = arith.constant 0 : i32
    %broadcast_in_dim3A_22 = vector.broadcast %broadcast_in_dim3A_21 : i32 to vector<8x1xi32>
    %scan3A = arith.constant 0 : i32
    %scan3A_23 = arith.constant 128 : i32
    %scan3A_24 = arith.addi %scan3A, %scan3A_23 : i32
    %scan3A_25 = arith.constant 1 : i32
    %scan3A_26:2 = scf.for %scan3A_28 = %scan3A to %scan3A_24 step %scan3A_25 iter_args(%scan3A_29 = %broadcast_in_dim3A_20, %scan3A_30 = %broadcast_in_dim3A_22) -> (vector<8x512xf32>, vector<8x1xi32>)  : i32 {
      %eq3A = vector.broadcast %scan3A_30 : vector<8x1xi32> to vector<8x512xi32>
      %eq3A_31 = arith.cmpi eq, %iota3A, %eq3A : vector<8x512xi32>
      %convert_element_type3A = arith.extui %eq3A_31 : vector<8x512xi1> to vector<8x512xi32>
      %convert_element_type3A_32 = arith.sitofp %convert_element_type3A : vector<8x512xi32> to vector<8x512xf32>
      %mul3A = arith.mulf %get3A_3, %convert_element_type3A_32 : vector<8x512xf32>
      %reduce_sum3A = arith.constant dense<0.000000e+00> : vector<8xf32>
      %reduce_sum3A_33 = vector.multi_reduction <add>, %mul3A, %reduce_sum3A [1] : vector<8x512xf32> to vector<8xf32>
      %broadcast_in_dim3A_34 = vector.shape_cast %reduce_sum3A_33 : vector<8xf32> to vector<8x1xf32>
      %mul3A_35 = arith.mulf %get3A_8, %convert_element_type3A_32 : vector<8x512xf32>
      %reduce_sum3A_36 = arith.constant dense<0.000000e+00> : vector<8xf32>
      %reduce_sum3A_37 = vector.multi_reduction <add>, %mul3A_35, %reduce_sum3A_36 [1] : vector<8x512xf32> to vector<8xf32>
      %broadcast_in_dim3A_38 = vector.shape_cast %reduce_sum3A_37 : vector<8xf32> to vector<8x1xf32>
      %mul3A_39 = arith.mulf %get3A_13, %convert_element_type3A_32 : vector<8x512xf32>
      %reduce_sum3A_40 = arith.constant dense<0.000000e+00> : vector<8xf32>
      %reduce_sum3A_41 = vector.multi_reduction <add>, %mul3A_39, %reduce_sum3A_40 [1] : vector<8x512xf32> to vector<8xf32>
      %broadcast_in_dim3A_42 = vector.shape_cast %reduce_sum3A_41 : vector<8xf32> to vector<8x1xf32>
      %eq3A_43 = vector.broadcast %scan3A_28 : i32 to vector<8x128xi32>
      %eq3A_44 = arith.cmpi eq, %iota3A_14, %eq3A_43 : vector<8x128xi32>
      %convert_element_type3A_45 = arith.extui %eq3A_44 : vector<8x128xi1> to vector<8x128xi32>
      %convert_element_type3A_46 = arith.sitofp %convert_element_type3A_45 : vector<8x128xi32> to vector<8x128xf32>
      %get3A_47 = arith.constant 0 : index
      %get3A_48 = arith.constant 0 : index
      %get3A_49 = arith.constant 0 : index
      %get3A_50 = vector.load %arg1[%get3A_47, %get3A_48, %get3A_49] : memref<3x8x128xf32, #tpu.memory_space<vmem>>, vector<1x8x128xf32>
      %get3A_51 = vector.shape_cast %get3A_50 : vector<1x8x128xf32> to vector<8x128xf32>
      %mul3A_52 = vector.broadcast %broadcast_in_dim3A_34 : vector<8x1xf32> to vector<8x128xf32>
      %mul3A_53 = arith.mulf %mul3A_52, %convert_element_type3A_46 : vector<8x128xf32>
      %add3A = arith.addf %get3A_51, %mul3A_53 : vector<8x128xf32>
      %swap3A_54 = arith.constant 0 : index
      %swap3A_55 = arith.constant 0 : index
      %swap3A_56 = arith.constant 0 : index
      %swap3A_57 = vector.load %arg1[%swap3A_54, %swap3A_55, %swap3A_56] : memref<3x8x128xf32, #tpu.memory_space<vmem>>, vector<1x8x128xf32>
      %swap3A_58 = vector.shape_cast %swap3A_57 : vector<1x8x128xf32> to vector<8x128xf32>
      %swap3A_59 = vector.shape_cast %add3A : vector<8x128xf32> to vector<1x8x128xf32>
      tpu.vector_store %arg1[%swap3A_54, %swap3A_55, %swap3A_56], %swap3A_59 {strides = array<i32>} : memref<3x8x128xf32, #tpu.memory_space<vmem>>, vector<1x8x128xf32>,
      %get3A_60 = arith.constant 1 : index
      %get3A_61 = arith.constant 0 : index
      %get3A_62 = arith.constant 0 : index
      %get3A_63 = vector.load %arg1[%get3A_60, %get3A_61, %get3A_62] : memref<3x8x128xf32, #tpu.memory_space<vmem>>, vector<1x8x128xf32>
      %get3A_64 = vector.shape_cast %get3A_63 : vector<1x8x128xf32> to vector<8x128xf32>
      %mul3A_65 = vector.broadcast %broadcast_in_dim3A_38 : vector<8x1xf32> to vector<8x128xf32>
      %mul3A_66 = arith.mulf %mul3A_65, %convert_element_type3A_46 : vector<8x128xf32>
      %add3A_67 = arith.addf %get3A_64, %mul3A_66 : vector<8x128xf32>
      %swap3A_68 = arith.constant 1 : index
      %swap3A_69 = arith.constant 0 : index
      %swap3A_70 = arith.constant 0 : index
      %swap3A_71 = vector.load %arg1[%swap3A_68, %swap3A_69, %swap3A_70] : memref<3x8x128xf32, #tpu.memory_space<vmem>>, vector<1x8x128xf32>
      %swap3A_72 = vector.shape_cast %swap3A_71 : vector<1x8x128xf32> to vector<8x128xf32>
      %swap3A_73 = vector.shape_cast %add3A_67 : vector<8x128xf32> to vector<1x8x128xf32>
      tpu.vector_store %arg1[%swap3A_68, %swap3A_69, %swap3A_70], %swap3A_73 {strides = array<i32>} : memref<3x8x128xf32, #tpu.memory_space<vmem>>, vector<1x8x128xf32>,
      %get3A_74 = arith.constant 2 : index
      %get3A_75 = arith.constant 0 : index
      %get3A_76 = arith.constant 0 : index
      %get3A_77 = vector.load %arg1[%get3A_74, %get3A_75, %get3A_76] : memref<3x8x128xf32, #tpu.memory_space<vmem>>, vector<1x8x128xf32>
      %get3A_78 = vector.shape_cast %get3A_77 : vector<1x8x128xf32> to vector<8x128xf32>
      %mul3A_79 = vector.broadcast %broadcast_in_dim3A_42 : vector<8x1xf32> to vector<8x128xf32>
      %mul3A_80 = arith.mulf %mul3A_79, %convert_element_type3A_46 : vector<8x128xf32>
      %add3A_81 = arith.addf %get3A_78, %mul3A_80 : vector<8x128xf32>
      %swap3A_82 = arith.constant 2 : index
      %swap3A_83 = arith.constant 0 : index
      %swap3A_84 = arith.constant 0 : index
      %swap3A_85 = vector.load %arg1[%swap3A_82, %swap3A_83, %swap3A_84] : memref<3x8x128xf32, #tpu.memory_space<vmem>>, vector<1x8x128xf32>
      %swap3A_86 = vector.shape_cast %swap3A_85 : vector<1x8x128xf32> to vector<8x128xf32>
      %swap3A_87 = vector.shape_cast %add3A_81 : vector<8x128xf32> to vector<1x8x128xf32>
      tpu.vector_store %arg1[%swap3A_82, %swap3A_83, %swap3A_84], %swap3A_87 {strides = array<i32>} : memref<3x8x128xf32, #tpu.memory_space<vmem>>, vector<1x8x128xf32>,
      %sub3A = vector.broadcast %broadcast_in_dim3A_34 : vector<8x1xf32> to vector<8x512xf32>
      %sub3A_88 = arith.subf %get3A_3, %sub3A : vector<8x512xf32>
      %sub3A_89 = vector.broadcast %broadcast_in_dim3A_38 : vector<8x1xf32> to vector<8x512xf32>
      %sub3A_90 = arith.subf %get3A_8, %sub3A_89 : vector<8x512xf32>
      %sub3A_91 = vector.broadcast %broadcast_in_dim3A_42 : vector<8x1xf32> to vector<8x512xf32>
      %sub3A_92 = arith.subf %get3A_13, %sub3A_91 : vector<8x512xf32>
      %mul3A_93 = arith.mulf %sub3A_88, %sub3A_88 : vector<8x512xf32>
      %mul3A_94 = arith.mulf %sub3A_90, %sub3A_90 : vector<8x512xf32>
      %add3A_95 = arith.addf %mul3A_93, %mul3A_94 : vector<8x512xf32>
      %mul3A_96 = arith.mulf %sub3A_92, %sub3A_92 : vector<8x512xf32>
      %add3A_97 = arith.addf %add3A_95, %mul3A_96 : vector<8x512xf32>
      %min3A = arith.minimumf %scan3A_29, %add3A_97 : vector<8x512xf32>
      %reduce_max3A = arith.constant dense<0xFF800000> : vector<8xf32>
      %reduce_max3A_98 = vector.multi_reduction <maximumf>, %min3A, %reduce_max3A [1] : vector<8x512xf32> to vector<8xf32>
      %broadcast_in_dim3A_99 = vector.shape_cast %reduce_max3A_98 : vector<8xf32> to vector<8x1xf32>
      %eq3A_100 = vector.broadcast %broadcast_in_dim3A_99 : vector<8x1xf32> to vector<8x512xf32>
      %eq3A_101 = arith.cmpf oeq, %min3A, %eq3A_100 : vector<8x512xf32>
      %jit3A = arith.constant 512 : i32
      %broadcast_in_dim3A_102 = vector.broadcast %jit3A : i32 to vector<8x512xi32>
      %select_n3A = arith.select %eq3A_101, %iota3A, %broadcast_in_dim3A_102 : vector<8x512xi1>, vector<8x512xi32>
      %reduce_min3A = arith.constant dense<2147483647> : vector<8xi32>
      %reduce_min3A_103 = vector.multi_reduction <minsi>, %select_n3A, %reduce_min3A [1] : vector<8x512xi32> to vector<8xi32>
      %broadcast_in_dim3A_104 = vector.shape_cast %reduce_min3A_103 : vector<8xi32> to vector<8x1xi32>
      scf.yield %min3A, %broadcast_in_dim3A_104 : vector<8x512xf32>, vector<8x1xi32>
    }
    %scan3A_27 = arith.constant 128 : i32
    return
  }
}

module attributes {stable_mosaic.version = 14 : i64} {
  func.func @_bq_body(%arg0: i32, %arg1: i32, %arg2: memref<1x3x4x128xf32, #tpu.memory_space<vmem>>, %arg3: memref<1x32x3xf32, #tpu.memory_space<vmem>>, %arg4: memref<128x128xf32, #tpu.memory_space<vmem>>, %arg5: memref<4x4xf32, #tpu.memory_space<vmem>>, %arg6: memref<1x32x64xi32, #tpu.memory_space<vmem>>) attributes {dimension_semantics = [#tpu.dimension_semantics<arbitrary>, #tpu.dimension_semantics<arbitrary>], iteration_bounds = array<i64: 8, 4>, scalar_prefetch = 0 : i64, scratch_operands = 0 : i64, tpu.core_type = #tpu.core_type<tc>, window_params = [{transform_indices = @transform_0, window_bounds = array<i64: 1, 3, 4, 128>}, {transform_indices = @transform_1, window_bounds = array<i64: 1, 32, 3>}, {pipeline_mode = #tpu.pipeline_mode<synchronous>, transform_indices = @transform_2, window_bounds = array<i64: 128, 128>}, {pipeline_mode = #tpu.pipeline_mode<synchronous>, transform_indices = @transform_3, window_bounds = array<i64: 4, 4>}, {transform_indices = @transform_4, window_bounds = array<i64: 1, 32, 64>}]} {
    %get3A = arith.constant 0 : index
    %get3A_0 = arith.constant 0 : index
    %get3A_1 = arith.constant 0 : index
    %get3A_2 = arith.constant 0 : index
    %get3A_3 = vector.load %arg2[%get3A, %get3A_0, %get3A_1, %get3A_2] : memref<1x3x4x128xf32, #tpu.memory_space<vmem>>, vector<1x1x4x128xf32>
    %get3A_4 = vector.shape_cast %get3A_3 : vector<1x1x4x128xf32> to vector<4x128xf32>
    %broadcast_in_dim3A = vector.shape_cast %get3A_4 : vector<4x128xf32> to vector<1x4x128xf32>
    %get3A_5 = arith.constant 0 : index
    %get3A_6 = arith.constant 1 : index
    %get3A_7 = arith.constant 0 : index
    %get3A_8 = arith.constant 0 : index
    %get3A_9 = vector.load %arg2[%get3A_5, %get3A_6, %get3A_7, %get3A_8] : memref<1x3x4x128xf32, #tpu.memory_space<vmem>>, vector<1x1x4x128xf32>
    %get3A_10 = vector.shape_cast %get3A_9 : vector<1x1x4x128xf32> to vector<4x128xf32>
    %broadcast_in_dim3A_11 = vector.shape_cast %get3A_10 : vector<4x128xf32> to vector<1x4x128xf32>
    %get3A_12 = arith.constant 0 : index
    %get3A_13 = arith.constant 2 : index
    %get3A_14 = arith.constant 0 : index
    %get3A_15 = arith.constant 0 : index
    %get3A_16 = vector.load %arg2[%get3A_12, %get3A_13, %get3A_14, %get3A_15] : memref<1x3x4x128xf32, #tpu.memory_space<vmem>>, vector<1x1x4x128xf32>
    %get3A_17 = vector.shape_cast %get3A_16 : vector<1x1x4x128xf32> to vector<4x128xf32>
    %broadcast_in_dim3A_18 = vector.shape_cast %get3A_17 : vector<4x128xf32> to vector<1x4x128xf32>
    %get3A_19 = arith.constant 0 : index
    %get3A_20 = arith.constant 0 : index
    %get3A_21 = arith.constant 0 : index
    %get3A_22 = vector.load %arg3[%get3A_19, %get3A_20, %get3A_21] : memref<1x32x3xf32, #tpu.memory_space<vmem>>, vector<1x32x3xf32>
    %get3A_23 = vector.shape_cast %get3A_22 : vector<1x32x3xf32> to vector<32x3xf32>
    %slice3A = vector.extract_strided_slice %get3A_23 {offsets = [0, 0], sizes = [32, 1], strides = [1, 1]} : vector<32x3xf32> to vector<32x1xf32>
    %reshape3A = vector.shape_cast %slice3A : vector<32x1xf32> to vector<32x1x1xf32>
    %slice3A_24 = vector.extract_strided_slice %get3A_23 {offsets = [0, 1], sizes = [32, 1], strides = [1, 1]} : vector<32x3xf32> to vector<32x1xf32>
    %reshape3A_25 = vector.shape_cast %slice3A_24 : vector<32x1xf32> to vector<32x1x1xf32>
    %slice3A_26 = vector.extract_strided_slice %get3A_23 {offsets = [0, 2], sizes = [32, 1], strides = [1, 1]} : vector<32x3xf32> to vector<32x1xf32>
    %reshape3A_27 = vector.shape_cast %slice3A_26 : vector<32x1xf32> to vector<32x1x1xf32>
    %sub3A = vector.broadcast %reshape3A : vector<32x1x1xf32> to vector<32x4x128xf32>
    %sub3A_28 = vector.broadcast %broadcast_in_dim3A : vector<1x4x128xf32> to vector<32x4x128xf32>
    %sub3A_29 = arith.subf %sub3A, %sub3A_28 : vector<32x4x128xf32>
    %sub3A_30 = vector.broadcast %reshape3A_25 : vector<32x1x1xf32> to vector<32x4x128xf32>
    %sub3A_31 = vector.broadcast %broadcast_in_dim3A_11 : vector<1x4x128xf32> to vector<32x4x128xf32>
    %sub3A_32 = arith.subf %sub3A_30, %sub3A_31 : vector<32x4x128xf32>
    %sub3A_33 = vector.broadcast %reshape3A_27 : vector<32x1x1xf32> to vector<32x4x128xf32>
    %sub3A_34 = vector.broadcast %broadcast_in_dim3A_18 : vector<1x4x128xf32> to vector<32x4x128xf32>
    %sub3A_35 = arith.subf %sub3A_33, %sub3A_34 : vector<32x4x128xf32>
    %mul3A = arith.mulf %sub3A_29, %sub3A_29 : vector<32x4x128xf32>
    %mul3A_36 = arith.mulf %sub3A_32, %sub3A_32 : vector<32x4x128xf32>
    %add3A = arith.addf %mul3A, %mul3A_36 : vector<32x4x128xf32>
    %mul3A_37 = arith.mulf %sub3A_35, %sub3A_35 : vector<32x4x128xf32>
    %add3A_38 = arith.addf %add3A, %mul3A_37 : vector<32x4x128xf32>
    %le3A = arith.constant 1.600000e-03 : f32
    %le3A_39 = vector.broadcast %le3A : f32 to vector<32x4x128xf32>
    %le3A_40 = arith.cmpf ole, %add3A_38, %le3A_39 : vector<32x4x128xf32>
    %convert_element_type3A = arith.extui %le3A_40 : vector<32x4x128xi1> to vector<32x4x128xi32>
    %convert_element_type3A_41 = arith.sitofp %convert_element_type3A : vector<32x4x128xi32> to vector<32x4x128xf32>
    %reshape3A_42 = vector.shape_cast %convert_element_type3A_41 : vector<32x4x128xf32> to vector<128x128xf32>
    %get3A_43 = arith.constant 0 : index
    %get3A_44 = arith.constant 0 : index
    %get3A_45 = vector.load %arg4[%get3A_43, %get3A_44] : memref<128x128xf32, #tpu.memory_space<vmem>>, vector<128x128xf32>
    %dot_general3A = arith.constant dense<0.000000e+00> : vector<128x128xf32>
    %dot_general3A_46 = tpu.matmul %reshape3A_42, %get3A_45, %dot_general3A {dimension_numbers = #tpu.dot_dimension_numbers<[1], [0], [0], [1], [0, 0, 1, 1], [], []>, transpose_lhs_hint = false} : vector<128x128xf32>, vector<128x128xf32>, vector<128x128xf32> -> vector<128x128xf32>
    %reduce_sum3A = arith.constant dense<0.000000e+00> : vector<32x4xf32>
    %reduce_sum3A_47 = vector.multi_reduction <add>, %convert_element_type3A_41, %reduce_sum3A [2] : vector<32x4x128xf32> to vector<32x4xf32>
    %get3A_48 = arith.constant 0 : index
    %get3A_49 = arith.constant 0 : index
    %get3A_50 = vector.load %arg5[%get3A_48, %get3A_49] : memref<4x4xf32, #tpu.memory_space<vmem>>, vector<4x4xf32>
    %dot_general3A_51 = arith.constant dense<0.000000e+00> : vector<32x4xf32>
    %dot_general3A_52 = tpu.matmul %reduce_sum3A_47, %get3A_50, %dot_general3A_51 {dimension_numbers = #tpu.dot_dimension_numbers<[1], [0], [0], [1], [0, 0, 1, 1], [], []>, transpose_lhs_hint = false} : vector<32x4xf32>, vector<4x4xf32>, vector<32x4xf32> -> vector<32x4xf32>
    %reshape3A_53 = vector.shape_cast %dot_general3A_46 : vector<128x128xf32> to vector<32x4x128xf32>
    %iota3A = tpu.iota {dimensions = array<i32: 1>} : vector<1x64x1xi32>
    %convert_element_type3A_54 = arith.sitofp %iota3A : vector<1x64x1xi32> to vector<1x64x1xf32>
    %broadcast_in_dim3A_55 = vector.shape_cast %dot_general3A_52 : vector<32x4xf32> to vector<32x1x4xf32>
    %le3A_56 = vector.broadcast %broadcast_in_dim3A_55 : vector<32x1x4xf32> to vector<32x64x4xf32>
    %le3A_57 = vector.broadcast %convert_element_type3A_54 : vector<1x64x1xf32> to vector<32x64x4xf32>
    %le3A_58 = arith.cmpf ole, %le3A_56, %le3A_57 : vector<32x64x4xf32>
    %convert_element_type3A_59 = arith.extui %le3A_58 : vector<32x64x4xi1> to vector<32x64x4xi32>
    %convert_element_type3A_60 = arith.sitofp %convert_element_type3A_59 : vector<32x64x4xi32> to vector<32x64x4xf32>
    %reduce_sum3A_61 = arith.constant dense<0.000000e+00> : vector<32x64xf32>
    %reduce_sum3A_62 = vector.multi_reduction <add>, %convert_element_type3A_60, %reduce_sum3A_61 [2] : vector<32x64x4xf32> to vector<32x64xf32>
    %broadcast_in_dim3A_63 = vector.shape_cast %reduce_sum3A_62 : vector<32x64xf32> to vector<32x64x1xf32>
    %broadcast_in_dim3A_64 = arith.constant 1.000000e+00 : f32
    %broadcast_in_dim3A_65 = vector.broadcast %broadcast_in_dim3A_64 : f32 to vector<32x64x1xf32>
    %slice3A_66 = vector.extract_strided_slice %convert_element_type3A_60 {offsets = [0, 0, 0], sizes = [32, 64, 3], strides = [1, 1, 1]} : vector<32x64x4xf32> to vector<32x64x3xf32>
    %concatenate3A = tpu.concatenate %broadcast_in_dim3A_65, %slice3A_66 in 2 : vector<32x64x1xf32>, vector<32x64x3xf32> -> vector<32x64x4xf32>
    %sub3A_67 = arith.subf %concatenate3A, %convert_element_type3A_60 : vector<32x64x4xf32>
    %dot_general3A_68 = arith.constant dense<0.000000e+00> : vector<32x64x128xf32>
    %dot_general3A_69 = tpu.matmul %sub3A_67, %reshape3A_53, %dot_general3A_68 {dimension_numbers = #tpu.dot_dimension_numbers<[2], [1], [1], [2], [0, 0, 0, 1, 1, 2], [0], [0]>, transpose_lhs_hint = false} : vector<32x64x4xf32>, vector<32x4x128xf32>, vector<32x64x128xf32> -> vector<32x64x128xf32>
    %sub3A_70 = arith.subf %dot_general3A_52, %reduce_sum3A_47 : vector<32x4xf32>
    %broadcast_in_dim3A_71 = vector.shape_cast %sub3A_70 : vector<32x4xf32> to vector<32x1x4xf32>
    %mul3A_72 = vector.broadcast %broadcast_in_dim3A_71 : vector<32x1x4xf32> to vector<32x64x4xf32>
    %mul3A_73 = arith.mulf %sub3A_67, %mul3A_72 : vector<32x64x4xf32>
    %reduce_sum3A_74 = arith.constant dense<0.000000e+00> : vector<32x64xf32>
    %reduce_sum3A_75 = vector.multi_reduction <add>, %mul3A_73, %reduce_sum3A_74 [2] : vector<32x64x4xf32> to vector<32x64xf32>
    %broadcast_in_dim3A_76 = vector.shape_cast %reduce_sum3A_75 : vector<32x64xf32> to vector<32x64x1xf32>
    %add3A_77 = vector.broadcast %broadcast_in_dim3A_76 : vector<32x64x1xf32> to vector<32x64x128xf32>
    %add3A_78 = arith.addf %dot_general3A_69, %add3A_77 : vector<32x64x128xf32>
    %le3A_79 = vector.broadcast %convert_element_type3A_54 : vector<1x64x1xf32> to vector<32x64x128xf32>
    %le3A_80 = arith.cmpf ole, %add3A_78, %le3A_79 : vector<32x64x128xf32>
    %convert_element_type3A_81 = arith.extui %le3A_80 : vector<32x64x128xi1> to vector<32x64x128xi32>
    %convert_element_type3A_82 = arith.sitofp %convert_element_type3A_81 : vector<32x64x128xi32> to vector<32x64x128xf32>
    %reduce_sum3A_83 = arith.constant dense<0.000000e+00> : vector<32x64xf32>
    %reduce_sum3A_84 = vector.multi_reduction <add>, %convert_element_type3A_82, %reduce_sum3A_83 [2] : vector<32x64x128xf32> to vector<32x64xf32>
    %broadcast_in_dim3A_85 = vector.shape_cast %reduce_sum3A_84 : vector<32x64xf32> to vector<32x64x1xf32>
    %squeeze3A = vector.shape_cast %broadcast_in_dim3A_63 : vector<32x64x1xf32> to vector<32x64xf32>
    %mul3A_86 = arith.constant 1.280000e+02 : f32
    %mul3A_87 = vector.broadcast %mul3A_86 : f32 to vector<32x64xf32>
    %mul3A_88 = arith.mulf %mul3A_87, %squeeze3A : vector<32x64xf32>
    %squeeze3A_89 = vector.shape_cast %broadcast_in_dim3A_85 : vector<32x64x1xf32> to vector<32x64xf32>
    %add3A_90 = arith.addf %mul3A_88, %squeeze3A_89 : vector<32x64xf32>
    %slice3A_91 = vector.extract_strided_slice %add3A_90 {offsets = [0, 0], sizes = [32, 1], strides = [1, 1]} : vector<32x64xf32> to vector<32x1xf32>
    %ge3A = arith.constant 5.120000e+02 : f32
    %ge3A_92 = vector.broadcast %ge3A : f32 to vector<32x64xf32>
    %ge3A_93 = arith.cmpf oge, %add3A_90, %ge3A_92 : vector<32x64xf32>
    %broadcast_in_dim3A_94 = vector.shape_cast %slice3A_91 : vector<32x1xf32> to vector<32x1xf32>
    %broadcast_in_dim3A_95 = vector.broadcast %broadcast_in_dim3A_94 : vector<32x1xf32> to vector<32x64xf32>
    %select_n3A = arith.select %ge3A_93, %broadcast_in_dim3A_95, %add3A_90 : vector<32x64xi1>, vector<32x64xf32>
    %convert_element_type3A_96 = arith.fptosi %select_n3A : vector<32x64xf32> to vector<32x64xi32>
    %mul3A_97 = arith.constant 512 : i32
    %mul3A_98 = arith.muli %arg0, %mul3A_97 : i32
    %add3A_99 = vector.broadcast %mul3A_98 : i32 to vector<32x64xi32>
    %add3A_100 = arith.addi %convert_element_type3A_96, %add3A_99 : vector<32x64xi32>
    %swap3A = arith.constant 0 : index
    %swap3A_101 = arith.constant 0 : index
    %swap3A_102 = arith.constant 0 : index
    %swap3A_103 = vector.load %arg6[%swap3A, %swap3A_101, %swap3A_102] : memref<1x32x64xi32, #tpu.memory_space<vmem>>, vector<1x32x64xi32>
    %swap3A_104 = vector.shape_cast %swap3A_103 : vector<1x32x64xi32> to vector<32x64xi32>
    %swap3A_105 = vector.shape_cast %add3A_100 : vector<32x64xi32> to vector<1x32x64xi32>
    tpu.vector_store %arg6[%swap3A, %swap3A_101, %swap3A_102], %swap3A_105 {strides = array<i32>} : memref<1x32x64xi32, #tpu.memory_space<vmem>>, vector<1x32x64xi32>,
    return
  }
  func.func @transform_0(%arg0: i32, %arg1: i32) -> (i32, i32, i32, i32) {
    %c0_i32 = arith.constant 0 : i32
    %c0_i32_0 = arith.constant 0 : i32
    %c0_i32_1 = arith.constant 0 : i32
    %c0_i32_2 = arith.constant 0 : i32
    return %arg0, %c0_i32, %c0_i32_0, %c0_i32_1 : i32, i32, i32, i32
  }
  func.func @transform_1(%arg0: i32, %arg1: i32) -> (i32, i32, i32) {
    %c0_i32 = arith.constant 0 : i32
    %c0_i32_0 = arith.constant 0 : i32
    return %arg0, %arg1, %c0_i32 : i32, i32, i32
  }
  func.func @transform_2(%arg0: i32, %arg1: i32) -> (i32, i32) {
    %c0_i32 = arith.constant 0 : i32
    %c0_i32_0 = arith.constant 0 : i32
    %c0_i32_1 = arith.constant 0 : i32
    return %c0_i32, %c0_i32_0 : i32, i32
  }
  func.func @transform_3(%arg0: i32, %arg1: i32) -> (i32, i32) {
    %c0_i32 = arith.constant 0 : i32
    %c0_i32_0 = arith.constant 0 : i32
    %c0_i32_1 = arith.constant 0 : i32
    return %c0_i32, %c0_i32_0 : i32, i32
  }
  func.func @transform_4(%arg0: i32, %arg1: i32) -> (i32, i32, i32) {
    %c0_i32 = arith.constant 0 : i32
    %c0_i32_0 = arith.constant 0 : i32
    return %arg0, %arg1, %c0_i32 : i32, i32, i32
  }
}

module attributes {stable_mosaic.version = 14 : i64} {
  func.func @_pass_body(%arg0: i32, %arg1: memref<4096x8xf32, #tpu.memory_space<vmem>>, %arg2: memref<64x8xf32, #tpu.memory_space<vmem>>, %arg3: memref<8x64xf32, #tpu.memory_space<vmem>>, %arg4: memref<1x64xf32, #tpu.memory_space<vmem>>, %arg5: memref<2x64xf32, #tpu.memory_space<vmem>>) attributes {dimension_semantics = [#tpu.dimension_semantics<arbitrary>], iteration_bounds = array<i64: 64>, scalar_prefetch = 0 : i64, scratch_operands = 0 : i64, tpu.core_type = #tpu.core_type<tc>, window_params = [{transform_indices = @transform_0, window_bounds = array<i64: 4096, 8>}, {transform_indices = @transform_1, window_bounds = array<i64: 64, 8>}, {pipeline_mode = #tpu.pipeline_mode<synchronous>, transform_indices = @transform_2, window_bounds = array<i64: 8, 64>}, {pipeline_mode = #tpu.pipeline_mode<synchronous>, transform_indices = @transform_3, window_bounds = array<i64: 1, 64>}, {pipeline_mode = #tpu.pipeline_mode<synchronous>, transform_indices = @transform_4, window_bounds = array<i64: 2, 64>}]} {
    %get3A = arith.constant 0 : index
    %get3A_0 = arith.constant 0 : index
    %get3A_1 = vector.load %arg1[%get3A, %get3A_0] : memref<4096x8xf32, #tpu.memory_space<vmem>>, vector<4096x8xf32>
    %reshape3A = vector.shape_cast %get3A_1 : vector<4096x8xf32> to vector<64x64x8xf32>
    %get3A_2 = arith.constant 0 : index
    %get3A_3 = arith.constant 0 : index
    %get3A_4 = vector.load %arg2[%get3A_2, %get3A_3] : memref<64x8xf32, #tpu.memory_space<vmem>>, vector<64x8xf32>
    %broadcast_in_dim3A = vector.shape_cast %get3A_4 : vector<64x8xf32> to vector<64x1x8xf32>
    %sub3A = vector.broadcast %broadcast_in_dim3A : vector<64x1x8xf32> to vector<64x64x8xf32>
    %sub3A_5 = arith.subf %reshape3A, %sub3A : vector<64x64x8xf32>
    %reshape3A_6 = vector.shape_cast %sub3A_5 : vector<64x64x8xf32> to vector<4096x8xf32>
    %get3A_7 = arith.constant 0 : index
    %get3A_8 = arith.constant 0 : index
    %get3A_9 = vector.load %arg3[%get3A_7, %get3A_8] : memref<8x64xf32, #tpu.memory_space<vmem>>, vector<8x64xf32>
    %dot_general3A = arith.constant dense<0.000000e+00> : vector<4096x64xf32>
    %dot_general3A_10 = tpu.matmul %reshape3A_6, %get3A_9, %dot_general3A {dimension_numbers = #tpu.dot_dimension_numbers<[1], [0], [0], [1], [0, 0, 1, 1], [], []>, transpose_lhs_hint = false} : vector<4096x8xf32>, vector<8x64xf32>, vector<4096x64xf32> -> vector<4096x64xf32>
    %get3A_11 = arith.constant 0 : index
    %get3A_12 = arith.constant 0 : index
    %get3A_13 = vector.load %arg4[%get3A_11, %get3A_12] : memref<1x64xf32, #tpu.memory_space<vmem>>, vector<1x64xf32>
    %add3A = vector.broadcast %get3A_13 : vector<1x64xf32> to vector<4096x64xf32>
    %add3A_14 = arith.addf %dot_general3A_10, %add3A : vector<4096x64xf32>
    %eq3A = arith.constant 0 : i32
    %eq3A_15 = arith.cmpi eq, %arg0, %eq3A : i32
    %convert_element_type3A = arith.extui %eq3A_15 : i1 to i32
    %cond3A = arith.constant 0 : i32
    %cond3A_16 = arith.cmpi ne, %convert_element_type3A, %cond3A : i32
    scf.if %cond3A_16 {
      %broadcast_in_dim3A_35 = arith.constant 0.000000e+00 : f32
      %broadcast_in_dim3A_36 = vector.broadcast %broadcast_in_dim3A_35 : f32 to vector<2x64xf32>
      %swap3A_37 = arith.constant 0 : index
      %swap3A_38 = arith.constant 0 : index
      %swap3A_39 = vector.load %arg5[%swap3A_37, %swap3A_38] : memref<2x64xf32, #tpu.memory_space<vmem>>, vector<2x64xf32>
      tpu.vector_store %arg5[%swap3A_37, %swap3A_38], %broadcast_in_dim3A_36 {strides = array<i32>} : memref<2x64xf32, #tpu.memory_space<vmem>>, vector<2x64xf32>,
    } else {
    }
    %get3A_17 = arith.constant 0 : index
    %get3A_18 = arith.constant 0 : index
    %get3A_19 = vector.load %arg5[%get3A_17, %get3A_18] : memref<2x64xf32, #tpu.memory_space<vmem>>, vector<1x64xf32>
    %reduce_sum3A = arith.constant dense<0.000000e+00> : vector<64xf32>
    %reduce_sum3A_20 = vector.multi_reduction <add>, %add3A_14, %reduce_sum3A [0] : vector<4096x64xf32> to vector<64xf32>
    %broadcast_in_dim3A_21 = vector.shape_cast %reduce_sum3A_20 : vector<64xf32> to vector<1x64xf32>
    %add3A_22 = arith.addf %get3A_19, %broadcast_in_dim3A_21 : vector<1x64xf32>
    %swap3A = arith.constant 0 : index
    %swap3A_23 = arith.constant 0 : index
    %swap3A_24 = vector.load %arg5[%swap3A, %swap3A_23] : memref<2x64xf32, #tpu.memory_space<vmem>>, vector<1x64xf32>
    tpu.vector_store %arg5[%swap3A, %swap3A_23], %add3A_22 {strides = array<i32>} : memref<2x64xf32, #tpu.memory_space<vmem>>, vector<1x64xf32>,
    %get3A_25 = arith.constant 1 : index
    %get3A_26 = arith.constant 0 : index
    %get3A_27 = vector.load %arg5[%get3A_25, %get3A_26] : memref<2x64xf32, #tpu.memory_space<vmem>>, vector<1x64xf32>
    %mul3A = arith.mulf %add3A_14, %add3A_14 : vector<4096x64xf32>
    %reduce_sum3A_28 = arith.constant dense<0.000000e+00> : vector<64xf32>
    %reduce_sum3A_29 = vector.multi_reduction <add>, %mul3A, %reduce_sum3A_28 [0] : vector<4096x64xf32> to vector<64xf32>
    %broadcast_in_dim3A_30 = vector.shape_cast %reduce_sum3A_29 : vector<64xf32> to vector<1x64xf32>
    %add3A_31 = arith.addf %get3A_27, %broadcast_in_dim3A_30 : vector<1x64xf32>
    %swap3A_32 = arith.constant 1 : index
    %swap3A_33 = arith.constant 0 : index
    %swap3A_34 = vector.load %arg5[%swap3A_32, %swap3A_33] : memref<2x64xf32, #tpu.memory_space<vmem>>, vector<1x64xf32>
    tpu.vector_store %arg5[%swap3A_32, %swap3A_33], %add3A_31 {strides = array<i32>} : memref<2x64xf32, #tpu.memory_space<vmem>>, vector<1x64xf32>,
    return
  }
  func.func @transform_0(%arg0: i32) -> (i32, i32) {
    %c0_i32 = arith.constant 0 : i32
    %c0_i32_0 = arith.constant 0 : i32
    return %arg0, %c0_i32 : i32, i32
  }
  func.func @transform_1(%arg0: i32) -> (i32, i32) {
    %c0_i32 = arith.constant 0 : i32
    %c0_i32_0 = arith.constant 0 : i32
    return %arg0, %c0_i32 : i32, i32
  }
  func.func @transform_2(%arg0: i32) -> (i32, i32) {
    %c0_i32 = arith.constant 0 : i32
    %c0_i32_0 = arith.constant 0 : i32
    %c0_i32_1 = arith.constant 0 : i32
    return %c0_i32, %c0_i32_0 : i32, i32
  }
  func.func @transform_3(%arg0: i32) -> (i32, i32) {
    %c0_i32 = arith.constant 0 : i32
    %c0_i32_0 = arith.constant 0 : i32
    %c0_i32_1 = arith.constant 0 : i32
    return %c0_i32, %c0_i32_0 : i32, i32
  }
  func.func @transform_4(%arg0: i32) -> (i32, i32) {
    %c0_i32 = arith.constant 0 : i32
    %c0_i32_0 = arith.constant 0 : i32
    %c0_i32_1 = arith.constant 0 : i32
    return %c0_i32, %c0_i32_0 : i32, i32
  }
}

module attributes {stable_mosaic.version = 14 : i64} {
  func.func @_pass_body(%arg0: i32, %arg1: memref<4096x8xf32, #tpu.memory_space<vmem>>, %arg2: memref<64x8xf32, #tpu.memory_space<vmem>>, %arg3: memref<8x64xf32, #tpu.memory_space<vmem>>, %arg4: memref<64x64xf32, #tpu.memory_space<vmem>>, %arg5: memref<1x64xf32, #tpu.memory_space<vmem>>, %arg6: memref<1x64xf32, #tpu.memory_space<vmem>>, %arg7: memref<1x64xf32, #tpu.memory_space<vmem>>, %arg8: memref<1x64xf32, #tpu.memory_space<vmem>>, %arg9: memref<2x64xf32, #tpu.memory_space<vmem>>, %arg10: memref<2x64xf32, #tpu.memory_space<vmem>>) attributes {dimension_semantics = [#tpu.dimension_semantics<arbitrary>], iteration_bounds = array<i64: 64>, scalar_prefetch = 0 : i64, scratch_operands = 0 : i64, tpu.core_type = #tpu.core_type<tc>, window_params = [{transform_indices = @transform_0, window_bounds = array<i64: 4096, 8>}, {transform_indices = @transform_1, window_bounds = array<i64: 64, 8>}, {pipeline_mode = #tpu.pipeline_mode<synchronous>, transform_indices = @transform_2, window_bounds = array<i64: 8, 64>}, {pipeline_mode = #tpu.pipeline_mode<synchronous>, transform_indices = @transform_3, window_bounds = array<i64: 64, 64>}, {pipeline_mode = #tpu.pipeline_mode<synchronous>, transform_indices = @transform_4, window_bounds = array<i64: 1, 64>}, {pipeline_mode = #tpu.pipeline_mode<synchronous>, transform_indices = @transform_5, window_bounds = array<i64: 1, 64>}, {pipeline_mode = #tpu.pipeline_mode<synchronous>, transform_indices = @transform_6, window_bounds = array<i64: 1, 64>}, {pipeline_mode = #tpu.pipeline_mode<synchronous>, transform_indices = @transform_7, window_bounds = array<i64: 1, 64>}, {pipeline_mode = #tpu.pipeline_mode<synchronous>, transform_indices = @transform_8, window_bounds = array<i64: 2, 64>}, {pipeline_mode = #tpu.pipeline_mode<synchronous>, transform_indices = @transform_9, window_bounds = array<i64: 2, 64>}]} {
    %get3A = arith.constant 0 : index
    %get3A_0 = arith.constant 0 : index
    %get3A_1 = vector.load %arg1[%get3A, %get3A_0] : memref<4096x8xf32, #tpu.memory_space<vmem>>, vector<4096x8xf32>
    %reshape3A = vector.shape_cast %get3A_1 : vector<4096x8xf32> to vector<64x64x8xf32>
    %get3A_2 = arith.constant 0 : index
    %get3A_3 = arith.constant 0 : index
    %get3A_4 = vector.load %arg2[%get3A_2, %get3A_3] : memref<64x8xf32, #tpu.memory_space<vmem>>, vector<64x8xf32>
    %broadcast_in_dim3A = vector.shape_cast %get3A_4 : vector<64x8xf32> to vector<64x1x8xf32>
    %sub3A = vector.broadcast %broadcast_in_dim3A : vector<64x1x8xf32> to vector<64x64x8xf32>
    %sub3A_5 = arith.subf %reshape3A, %sub3A : vector<64x64x8xf32>
    %reshape3A_6 = vector.shape_cast %sub3A_5 : vector<64x64x8xf32> to vector<4096x8xf32>
    %get3A_7 = arith.constant 0 : index
    %get3A_8 = arith.constant 0 : index
    %get3A_9 = vector.load %arg3[%get3A_7, %get3A_8] : memref<8x64xf32, #tpu.memory_space<vmem>>, vector<8x64xf32>
    %dot_general3A = arith.constant dense<0.000000e+00> : vector<4096x64xf32>
    %dot_general3A_10 = tpu.matmul %reshape3A_6, %get3A_9, %dot_general3A {dimension_numbers = #tpu.dot_dimension_numbers<[1], [0], [0], [1], [0, 0, 1, 1], [], []>, transpose_lhs_hint = false} : vector<4096x8xf32>, vector<8x64xf32>, vector<4096x64xf32> -> vector<4096x64xf32>
    %get3A_11 = arith.constant 0 : index
    %get3A_12 = arith.constant 0 : index
    %get3A_13 = vector.load %arg5[%get3A_11, %get3A_12] : memref<1x64xf32, #tpu.memory_space<vmem>>, vector<1x64xf32>
    %add3A = vector.broadcast %get3A_13 : vector<1x64xf32> to vector<4096x64xf32>
    %add3A_14 = arith.addf %dot_general3A_10, %add3A : vector<4096x64xf32>
    %get3A_15 = arith.constant 0 : index
    %get3A_16 = arith.constant 0 : index
    %get3A_17 = vector.load %arg9[%get3A_15, %get3A_16] : memref<2x64xf32, #tpu.memory_space<vmem>>, vector<2x64xf32>
    %slice3A = vector.extract_strided_slice %get3A_17 {offsets = [0, 0], sizes = [1, 64], strides = [1, 1]} : vector<2x64xf32> to vector<1x64xf32>
    %div3A = arith.constant 2.621440e+05 : f32
    %div3A_18 = vector.broadcast %div3A : f32 to vector<1x64xf32>
    %div3A_19 = arith.divf %slice3A, %div3A_18 : vector<1x64xf32>
    %slice3A_20 = vector.extract_strided_slice %get3A_17 {offsets = [1, 0], sizes = [1, 64], strides = [1, 1]} : vector<2x64xf32> to vector<1x64xf32>
    %div3A_21 = arith.constant 2.621440e+05 : f32
    %div3A_22 = vector.broadcast %div3A_21 : f32 to vector<1x64xf32>
    %div3A_23 = arith.divf %slice3A_20, %div3A_22 : vector<1x64xf32>
    %mul3A = arith.mulf %div3A_19, %div3A_19 : vector<1x64xf32>
    %sub3A_24 = arith.subf %div3A_23, %mul3A : vector<1x64xf32>
    %get3A_25 = arith.constant 0 : index
    %get3A_26 = arith.constant 0 : index
    %get3A_27 = vector.load %arg7[%get3A_25, %get3A_26] : memref<1x64xf32, #tpu.memory_space<vmem>>, vector<1x64xf32>
    %add3A_28 = arith.constant 9.99999974E-6 : f32
    %add3A_29 = vector.broadcast %add3A_28 : f32 to vector<1x64xf32>
    %add3A_30 = arith.addf %sub3A_24, %add3A_29 : vector<1x64xf32>
    %sqrt3A = math.sqrt %add3A_30 : vector<1x64xf32>
    %div3A_31 = arith.divf %get3A_27, %sqrt3A : vector<1x64xf32>
    %get3A_32 = arith.constant 0 : index
    %get3A_33 = arith.constant 0 : index
    %get3A_34 = vector.load %arg8[%get3A_32, %get3A_33] : memref<1x64xf32, #tpu.memory_space<vmem>>, vector<1x64xf32>
    %mul3A_35 = arith.mulf %div3A_19, %div3A_31 : vector<1x64xf32>
    %sub3A_36 = arith.subf %get3A_34, %mul3A_35 : vector<1x64xf32>
    %mul3A_37 = vector.broadcast %div3A_31 : vector<1x64xf32> to vector<4096x64xf32>
    %mul3A_38 = arith.mulf %add3A_14, %mul3A_37 : vector<4096x64xf32>
    %add3A_39 = vector.broadcast %sub3A_36 : vector<1x64xf32> to vector<4096x64xf32>
    %add3A_40 = arith.addf %mul3A_38, %add3A_39 : vector<4096x64xf32>
    %max3A = arith.constant 0.000000e+00 : f32
    %max3A_41 = vector.broadcast %max3A : f32 to vector<4096x64xf32>
    %max3A_42 = arith.maximumf %add3A_40, %max3A_41 : vector<4096x64xf32>
    %get3A_43 = arith.constant 0 : index
    %get3A_44 = arith.constant 0 : index
    %get3A_45 = vector.load %arg4[%get3A_43, %get3A_44] : memref<64x64xf32, #tpu.memory_space<vmem>>, vector<64x64xf32>
    %dot_general3A_46 = arith.constant dense<0.000000e+00> : vector<4096x64xf32>
    %dot_general3A_47 = tpu.matmul %max3A_42, %get3A_45, %dot_general3A_46 {dimension_numbers = #tpu.dot_dimension_numbers<[1], [0], [0], [1], [0, 0, 1, 1], [], []>, transpose_lhs_hint = false} : vector<4096x64xf32>, vector<64x64xf32>, vector<4096x64xf32> -> vector<4096x64xf32>
    %get3A_48 = arith.constant 0 : index
    %get3A_49 = arith.constant 0 : index
    %get3A_50 = vector.load %arg6[%get3A_48, %get3A_49] : memref<1x64xf32, #tpu.memory_space<vmem>>, vector<1x64xf32>
    %add3A_51 = vector.broadcast %get3A_50 : vector<1x64xf32> to vector<4096x64xf32>
    %add3A_52 = arith.addf %dot_general3A_47, %add3A_51 : vector<4096x64xf32>
    %eq3A = arith.constant 0 : i32
    %eq3A_53 = arith.cmpi eq, %arg0, %eq3A : i32
    %convert_element_type3A = arith.extui %eq3A_53 : i1 to i32
    %cond3A = arith.constant 0 : i32
    %cond3A_54 = arith.cmpi ne, %convert_element_type3A, %cond3A : i32
    scf.if %cond3A_54 {
      %broadcast_in_dim3A_74 = arith.constant 0.000000e+00 : f32
      %broadcast_in_dim3A_75 = vector.broadcast %broadcast_in_dim3A_74 : f32 to vector<2x64xf32>
      %swap3A_76 = arith.constant 0 : index
      %swap3A_77 = arith.constant 0 : index
      %swap3A_78 = vector.load %arg10[%swap3A_76, %swap3A_77] : memref<2x64xf32, #tpu.memory_space<vmem>>, vector<2x64xf32>
      tpu.vector_store %arg10[%swap3A_76, %swap3A_77], %broadcast_in_dim3A_75 {strides = array<i32>} : memref<2x64xf32, #tpu.memory_space<vmem>>, vector<2x64xf32>,
    } else {
    }
    %get3A_55 = arith.constant 0 : index
    %get3A_56 = arith.constant 0 : index
    %get3A_57 = vector.load %arg10[%get3A_55, %get3A_56] : memref<2x64xf32, #tpu.memory_space<vmem>>, vector<1x64xf32>
    %reduce_sum3A = arith.constant dense<0.000000e+00> : vector<64xf32>
    %reduce_sum3A_58 = vector.multi_reduction <add>, %add3A_52, %reduce_sum3A [0] : vector<4096x64xf32> to vector<64xf32>
    %broadcast_in_dim3A_59 = vector.shape_cast %reduce_sum3A_58 : vector<64xf32> to vector<1x64xf32>
    %add3A_60 = arith.addf %get3A_57, %broadcast_in_dim3A_59 : vector<1x64xf32>
    %swap3A = arith.constant 0 : index
    %swap3A_61 = arith.constant 0 : index
    %swap3A_62 = vector.load %arg10[%swap3A, %swap3A_61] : memref<2x64xf32, #tpu.memory_space<vmem>>, vector<1x64xf32>
    tpu.vector_store %arg10[%swap3A, %swap3A_61], %add3A_60 {strides = array<i32>} : memref<2x64xf32, #tpu.memory_space<vmem>>, vector<1x64xf32>,
    %get3A_63 = arith.constant 1 : index
    %get3A_64 = arith.constant 0 : index
    %get3A_65 = vector.load %arg10[%get3A_63, %get3A_64] : memref<2x64xf32, #tpu.memory_space<vmem>>, vector<1x64xf32>
    %mul3A_66 = arith.mulf %add3A_52, %add3A_52 : vector<4096x64xf32>
    %reduce_sum3A_67 = arith.constant dense<0.000000e+00> : vector<64xf32>
    %reduce_sum3A_68 = vector.multi_reduction <add>, %mul3A_66, %reduce_sum3A_67 [0] : vector<4096x64xf32> to vector<64xf32>
    %broadcast_in_dim3A_69 = vector.shape_cast %reduce_sum3A_68 : vector<64xf32> to vector<1x64xf32>
    %add3A_70 = arith.addf %get3A_65, %broadcast_in_dim3A_69 : vector<1x64xf32>
    %swap3A_71 = arith.constant 1 : index
    %swap3A_72 = arith.constant 0 : index
    %swap3A_73 = vector.load %arg10[%swap3A_71, %swap3A_72] : memref<2x64xf32, #tpu.memory_space<vmem>>, vector<1x64xf32>
    tpu.vector_store %arg10[%swap3A_71, %swap3A_72], %add3A_70 {strides = array<i32>} : memref<2x64xf32, #tpu.memory_space<vmem>>, vector<1x64xf32>,
    return
  }
  func.func @transform_0(%arg0: i32) -> (i32, i32) {
    %c0_i32 = arith.constant 0 : i32
    %c0_i32_0 = arith.constant 0 : i32
    return %arg0, %c0_i32 : i32, i32
  }
  func.func @transform_1(%arg0: i32) -> (i32, i32) {
    %c0_i32 = arith.constant 0 : i32
    %c0_i32_0 = arith.constant 0 : i32
    return %arg0, %c0_i32 : i32, i32
  }
  func.func @transform_2(%arg0: i32) -> (i32, i32) {
    %c0_i32 = arith.constant 0 : i32
    %c0_i32_0 = arith.constant 0 : i32
    %c0_i32_1 = arith.constant 0 : i32
    return %c0_i32, %c0_i32_0 : i32, i32
  }
  func.func @transform_3(%arg0: i32) -> (i32, i32) {
    %c0_i32 = arith.constant 0 : i32
    %c0_i32_0 = arith.constant 0 : i32
    %c0_i32_1 = arith.constant 0 : i32
    return %c0_i32, %c0_i32_0 : i32, i32
  }
  func.func @transform_4(%arg0: i32) -> (i32, i32) {
    %c0_i32 = arith.constant 0 : i32
    %c0_i32_0 = arith.constant 0 : i32
    %c0_i32_1 = arith.constant 0 : i32
    return %c0_i32, %c0_i32_0 : i32, i32
  }
  func.func @transform_5(%arg0: i32) -> (i32, i32) {
    %c0_i32 = arith.constant 0 : i32
    %c0_i32_0 = arith.constant 0 : i32
    %c0_i32_1 = arith.constant 0 : i32
    return %c0_i32, %c0_i32_0 : i32, i32
  }
  func.func @transform_6(%arg0: i32) -> (i32, i32) {
    %c0_i32 = arith.constant 0 : i32
    %c0_i32_0 = arith.constant 0 : i32
    %c0_i32_1 = arith.constant 0 : i32
    return %c0_i32, %c0_i32_0 : i32, i32
  }
  func.func @transform_7(%arg0: i32) -> (i32, i32) {
    %c0_i32 = arith.constant 0 : i32
    %c0_i32_0 = arith.constant 0 : i32
    %c0_i32_1 = arith.constant 0 : i32
    return %c0_i32, %c0_i32_0 : i32, i32
  }
  func.func @transform_8(%arg0: i32) -> (i32, i32) {
    %c0_i32 = arith.constant 0 : i32
    %c0_i32_0 = arith.constant 0 : i32
    %c0_i32_1 = arith.constant 0 : i32
    return %c0_i32, %c0_i32_0 : i32, i32
  }
  func.func @transform_9(%arg0: i32) -> (i32, i32) {
    %c0_i32 = arith.constant 0 : i32
    %c0_i32_0 = arith.constant 0 : i32
    %c0_i32_1 = arith.constant 0 : i32
    return %c0_i32, %c0_i32_0 : i32, i32
  }
}

module attributes {stable_mosaic.version = 14 : i64} {
  func.func @_pass_body(%arg0: i32, %arg1: memref<4096x8xf32, #tpu.memory_space<vmem>>, %arg2: memref<64x8xf32, #tpu.memory_space<vmem>>, %arg3: memref<8x64xf32, #tpu.memory_space<vmem>>, %arg4: memref<64x64xf32, #tpu.memory_space<vmem>>, %arg5: memref<64x128xf32, #tpu.memory_space<vmem>>, %arg6: memref<1x64xf32, #tpu.memory_space<vmem>>, %arg7: memref<1x64xf32, #tpu.memory_space<vmem>>, %arg8: memref<1x128xf32, #tpu.memory_space<vmem>>, %arg9: memref<1x64xf32, #tpu.memory_space<vmem>>, %arg10: memref<1x64xf32, #tpu.memory_space<vmem>>, %arg11: memref<1x64xf32, #tpu.memory_space<vmem>>, %arg12: memref<1x64xf32, #tpu.memory_space<vmem>>, %arg13: memref<2x64xf32, #tpu.memory_space<vmem>>, %arg14: memref<2x64xf32, #tpu.memory_space<vmem>>, %arg15: memref<2x128xf32, #tpu.memory_space<vmem>>, %arg16: memref<64x128xf32, #tpu.memory_space<vmem>>, %arg17: memref<64x128xf32, #tpu.memory_space<vmem>>) attributes {dimension_semantics = [#tpu.dimension_semantics<arbitrary>], iteration_bounds = array<i64: 64>, scalar_prefetch = 0 : i64, scratch_operands = 0 : i64, tpu.core_type = #tpu.core_type<tc>, window_params = [{transform_indices = @transform_0, window_bounds = array<i64: 4096, 8>}, {transform_indices = @transform_1, window_bounds = array<i64: 64, 8>}, {pipeline_mode = #tpu.pipeline_mode<synchronous>, transform_indices = @transform_2, window_bounds = array<i64: 8, 64>}, {pipeline_mode = #tpu.pipeline_mode<synchronous>, transform_indices = @transform_3, window_bounds = array<i64: 64, 64>}, {pipeline_mode = #tpu.pipeline_mode<synchronous>, transform_indices = @transform_4, window_bounds = array<i64: 64, 128>}, {pipeline_mode = #tpu.pipeline_mode<synchronous>, transform_indices = @transform_5, window_bounds = array<i64: 1, 64>}, {pipeline_mode = #tpu.pipeline_mode<synchronous>, transform_indices = @transform_6, window_bounds = array<i64: 1, 64>}, {pipeline_mode = #tpu.pipeline_mode<synchronous>, transform_indices = @transform_7, window_bounds = array<i64: 1, 128>}, {pipeline_mode = #tpu.pipeline_mode<synchronous>, transform_indices = @transform_8, window_bounds = array<i64: 1, 64>}, {pipeline_mode = #tpu.pipeline_mode<synchronous>, transform_indices = @transform_9, window_bounds = array<i64: 1, 64>}, {pipeline_mode = #tpu.pipeline_mode<synchronous>, transform_indices = @transform_10, window_bounds = array<i64: 1, 64>}, {pipeline_mode = #tpu.pipeline_mode<synchronous>, transform_indices = @transform_11, window_bounds = array<i64: 1, 64>}, {pipeline_mode = #tpu.pipeline_mode<synchronous>, transform_indices = @transform_12, window_bounds = array<i64: 2, 64>}, {pipeline_mode = #tpu.pipeline_mode<synchronous>, transform_indices = @transform_13, window_bounds = array<i64: 2, 64>}, {pipeline_mode = #tpu.pipeline_mode<synchronous>, transform_indices = @transform_14, window_bounds = array<i64: 2, 128>}, {transform_indices = @transform_15, window_bounds = array<i64: 64, 128>}, {transform_indices = @transform_16, window_bounds = array<i64: 64, 128>}]} {
    %get3A = arith.constant 0 : index
    %get3A_0 = arith.constant 0 : index
    %get3A_1 = vector.load %arg1[%get3A, %get3A_0] : memref<4096x8xf32, #tpu.memory_space<vmem>>, vector<4096x8xf32>
    %reshape3A = vector.shape_cast %get3A_1 : vector<4096x8xf32> to vector<64x64x8xf32>
    %get3A_2 = arith.constant 0 : index
    %get3A_3 = arith.constant 0 : index
    %get3A_4 = vector.load %arg2[%get3A_2, %get3A_3] : memref<64x8xf32, #tpu.memory_space<vmem>>, vector<64x8xf32>
    %broadcast_in_dim3A = vector.shape_cast %get3A_4 : vector<64x8xf32> to vector<64x1x8xf32>
    %sub3A = vector.broadcast %broadcast_in_dim3A : vector<64x1x8xf32> to vector<64x64x8xf32>
    %sub3A_5 = arith.subf %reshape3A, %sub3A : vector<64x64x8xf32>
    %reshape3A_6 = vector.shape_cast %sub3A_5 : vector<64x64x8xf32> to vector<4096x8xf32>
    %get3A_7 = arith.constant 0 : index
    %get3A_8 = arith.constant 0 : index
    %get3A_9 = vector.load %arg3[%get3A_7, %get3A_8] : memref<8x64xf32, #tpu.memory_space<vmem>>, vector<8x64xf32>
    %dot_general3A = arith.constant dense<0.000000e+00> : vector<4096x64xf32>
    %dot_general3A_10 = tpu.matmul %reshape3A_6, %get3A_9, %dot_general3A {dimension_numbers = #tpu.dot_dimension_numbers<[1], [0], [0], [1], [0, 0, 1, 1], [], []>, transpose_lhs_hint = false} : vector<4096x8xf32>, vector<8x64xf32>, vector<4096x64xf32> -> vector<4096x64xf32>
    %get3A_11 = arith.constant 0 : index
    %get3A_12 = arith.constant 0 : index
    %get3A_13 = vector.load %arg6[%get3A_11, %get3A_12] : memref<1x64xf32, #tpu.memory_space<vmem>>, vector<1x64xf32>
    %add3A = vector.broadcast %get3A_13 : vector<1x64xf32> to vector<4096x64xf32>
    %add3A_14 = arith.addf %dot_general3A_10, %add3A : vector<4096x64xf32>
    %get3A_15 = arith.constant 0 : index
    %get3A_16 = arith.constant 0 : index
    %get3A_17 = vector.load %arg13[%get3A_15, %get3A_16] : memref<2x64xf32, #tpu.memory_space<vmem>>, vector<2x64xf32>
    %slice3A = vector.extract_strided_slice %get3A_17 {offsets = [0, 0], sizes = [1, 64], strides = [1, 1]} : vector<2x64xf32> to vector<1x64xf32>
    %div3A = arith.constant 2.621440e+05 : f32
    %div3A_18 = vector.broadcast %div3A : f32 to vector<1x64xf32>
    %div3A_19 = arith.divf %slice3A, %div3A_18 : vector<1x64xf32>
    %slice3A_20 = vector.extract_strided_slice %get3A_17 {offsets = [1, 0], sizes = [1, 64], strides = [1, 1]} : vector<2x64xf32> to vector<1x64xf32>
    %div3A_21 = arith.constant 2.621440e+05 : f32
    %div3A_22 = vector.broadcast %div3A_21 : f32 to vector<1x64xf32>
    %div3A_23 = arith.divf %slice3A_20, %div3A_22 : vector<1x64xf32>
    %mul3A = arith.mulf %div3A_19, %div3A_19 : vector<1x64xf32>
    %sub3A_24 = arith.subf %div3A_23, %mul3A : vector<1x64xf32>
    %get3A_25 = arith.constant 0 : index
    %get3A_26 = arith.constant 0 : index
    %get3A_27 = vector.load %arg9[%get3A_25, %get3A_26] : memref<1x64xf32, #tpu.memory_space<vmem>>, vector<1x64xf32>
    %add3A_28 = arith.constant 9.99999974E-6 : f32
    %add3A_29 = vector.broadcast %add3A_28 : f32 to vector<1x64xf32>
    %add3A_30 = arith.addf %sub3A_24, %add3A_29 : vector<1x64xf32>
    %sqrt3A = math.sqrt %add3A_30 : vector<1x64xf32>
    %div3A_31 = arith.divf %get3A_27, %sqrt3A : vector<1x64xf32>
    %get3A_32 = arith.constant 0 : index
    %get3A_33 = arith.constant 0 : index
    %get3A_34 = vector.load %arg11[%get3A_32, %get3A_33] : memref<1x64xf32, #tpu.memory_space<vmem>>, vector<1x64xf32>
    %mul3A_35 = arith.mulf %div3A_19, %div3A_31 : vector<1x64xf32>
    %sub3A_36 = arith.subf %get3A_34, %mul3A_35 : vector<1x64xf32>
    %mul3A_37 = vector.broadcast %div3A_31 : vector<1x64xf32> to vector<4096x64xf32>
    %mul3A_38 = arith.mulf %add3A_14, %mul3A_37 : vector<4096x64xf32>
    %add3A_39 = vector.broadcast %sub3A_36 : vector<1x64xf32> to vector<4096x64xf32>
    %add3A_40 = arith.addf %mul3A_38, %add3A_39 : vector<4096x64xf32>
    %max3A = arith.constant 0.000000e+00 : f32
    %max3A_41 = vector.broadcast %max3A : f32 to vector<4096x64xf32>
    %max3A_42 = arith.maximumf %add3A_40, %max3A_41 : vector<4096x64xf32>
    %get3A_43 = arith.constant 0 : index
    %get3A_44 = arith.constant 0 : index
    %get3A_45 = vector.load %arg4[%get3A_43, %get3A_44] : memref<64x64xf32, #tpu.memory_space<vmem>>, vector<64x64xf32>
    %dot_general3A_46 = arith.constant dense<0.000000e+00> : vector<4096x64xf32>
    %dot_general3A_47 = tpu.matmul %max3A_42, %get3A_45, %dot_general3A_46 {dimension_numbers = #tpu.dot_dimension_numbers<[1], [0], [0], [1], [0, 0, 1, 1], [], []>, transpose_lhs_hint = false} : vector<4096x64xf32>, vector<64x64xf32>, vector<4096x64xf32> -> vector<4096x64xf32>
    %get3A_48 = arith.constant 0 : index
    %get3A_49 = arith.constant 0 : index
    %get3A_50 = vector.load %arg7[%get3A_48, %get3A_49] : memref<1x64xf32, #tpu.memory_space<vmem>>, vector<1x64xf32>
    %add3A_51 = vector.broadcast %get3A_50 : vector<1x64xf32> to vector<4096x64xf32>
    %add3A_52 = arith.addf %dot_general3A_47, %add3A_51 : vector<4096x64xf32>
    %get3A_53 = arith.constant 0 : index
    %get3A_54 = arith.constant 0 : index
    %get3A_55 = vector.load %arg14[%get3A_53, %get3A_54] : memref<2x64xf32, #tpu.memory_space<vmem>>, vector<2x64xf32>
    %slice3A_56 = vector.extract_strided_slice %get3A_55 {offsets = [0, 0], sizes = [1, 64], strides = [1, 1]} : vector<2x64xf32> to vector<1x64xf32>
    %div3A_57 = arith.constant 2.621440e+05 : f32
    %div3A_58 = vector.broadcast %div3A_57 : f32 to vector<1x64xf32>
    %div3A_59 = arith.divf %slice3A_56, %div3A_58 : vector<1x64xf32>
    %slice3A_60 = vector.extract_strided_slice %get3A_55 {offsets = [1, 0], sizes = [1, 64], strides = [1, 1]} : vector<2x64xf32> to vector<1x64xf32>
    %div3A_61 = arith.constant 2.621440e+05 : f32
    %div3A_62 = vector.broadcast %div3A_61 : f32 to vector<1x64xf32>
    %div3A_63 = arith.divf %slice3A_60, %div3A_62 : vector<1x64xf32>
    %mul3A_64 = arith.mulf %div3A_59, %div3A_59 : vector<1x64xf32>
    %sub3A_65 = arith.subf %div3A_63, %mul3A_64 : vector<1x64xf32>
    %get3A_66 = arith.constant 0 : index
    %get3A_67 = arith.constant 0 : index
    %get3A_68 = vector.load %arg10[%get3A_66, %get3A_67] : memref<1x64xf32, #tpu.memory_space<vmem>>, vector<1x64xf32>
    %add3A_69 = arith.constant 9.99999974E-6 : f32
    %add3A_70 = vector.broadcast %add3A_69 : f32 to vector<1x64xf32>
    %add3A_71 = arith.addf %sub3A_65, %add3A_70 : vector<1x64xf32>
    %sqrt3A_72 = math.sqrt %add3A_71 : vector<1x64xf32>
    %div3A_73 = arith.divf %get3A_68, %sqrt3A_72 : vector<1x64xf32>
    %get3A_74 = arith.constant 0 : index
    %get3A_75 = arith.constant 0 : index
    %get3A_76 = vector.load %arg12[%get3A_74, %get3A_75] : memref<1x64xf32, #tpu.memory_space<vmem>>, vector<1x64xf32>
    %mul3A_77 = arith.mulf %div3A_59, %div3A_73 : vector<1x64xf32>
    %sub3A_78 = arith.subf %get3A_76, %mul3A_77 : vector<1x64xf32>
    %mul3A_79 = vector.broadcast %div3A_73 : vector<1x64xf32> to vector<4096x64xf32>
    %mul3A_80 = arith.mulf %add3A_52, %mul3A_79 : vector<4096x64xf32>
    %add3A_81 = vector.broadcast %sub3A_78 : vector<1x64xf32> to vector<4096x64xf32>
    %add3A_82 = arith.addf %mul3A_80, %add3A_81 : vector<4096x64xf32>
    %max3A_83 = arith.constant 0.000000e+00 : f32
    %max3A_84 = vector.broadcast %max3A_83 : f32 to vector<4096x64xf32>
    %max3A_85 = arith.maximumf %add3A_82, %max3A_84 : vector<4096x64xf32>
    %get3A_86 = arith.constant 0 : index
    %get3A_87 = arith.constant 0 : index
    %get3A_88 = vector.load %arg5[%get3A_86, %get3A_87] : memref<64x128xf32, #tpu.memory_space<vmem>>, vector<64x128xf32>
    %dot_general3A_89 = arith.constant dense<0.000000e+00> : vector<4096x128xf32>
    %dot_general3A_90 = tpu.matmul %max3A_85, %get3A_88, %dot_general3A_89 {dimension_numbers = #tpu.dot_dimension_numbers<[1], [0], [0], [1], [0, 0, 1, 1], [], []>, transpose_lhs_hint = false} : vector<4096x64xf32>, vector<64x128xf32>, vector<4096x128xf32> -> vector<4096x128xf32>
    %get3A_91 = arith.constant 0 : index
    %get3A_92 = arith.constant 0 : index
    %get3A_93 = vector.load %arg8[%get3A_91, %get3A_92] : memref<1x128xf32, #tpu.memory_space<vmem>>, vector<1x128xf32>
    %add3A_94 = vector.broadcast %get3A_93 : vector<1x128xf32> to vector<4096x128xf32>
    %add3A_95 = arith.addf %dot_general3A_90, %add3A_94 : vector<4096x128xf32>
    %eq3A = arith.constant 0 : i32
    %eq3A_96 = arith.cmpi eq, %arg0, %eq3A : i32
    %convert_element_type3A = arith.extui %eq3A_96 : i1 to i32
    %cond3A = arith.constant 0 : i32
    %cond3A_97 = arith.cmpi ne, %convert_element_type3A, %cond3A : i32
    scf.if %cond3A_97 {
      %broadcast_in_dim3A_126 = arith.constant 0.000000e+00 : f32
      %broadcast_in_dim3A_127 = vector.broadcast %broadcast_in_dim3A_126 : f32 to vector<2x128xf32>
      %swap3A_128 = arith.constant 0 : index
      %swap3A_129 = arith.constant 0 : index
      %swap3A_130 = vector.load %arg15[%swap3A_128, %swap3A_129] : memref<2x128xf32, #tpu.memory_space<vmem>>, vector<2x128xf32>
      tpu.vector_store %arg15[%swap3A_128, %swap3A_129], %broadcast_in_dim3A_127 {strides = array<i32>} : memref<2x128xf32, #tpu.memory_space<vmem>>, vector<2x128xf32>,
    } else {
    }
    %get3A_98 = arith.constant 0 : index
    %get3A_99 = arith.constant 0 : index
    %get3A_100 = vector.load %arg15[%get3A_98, %get3A_99] : memref<2x128xf32, #tpu.memory_space<vmem>>, vector<1x128xf32>
    %reduce_sum3A = arith.constant dense<0.000000e+00> : vector<128xf32>
    %reduce_sum3A_101 = vector.multi_reduction <add>, %add3A_95, %reduce_sum3A [0] : vector<4096x128xf32> to vector<128xf32>
    %broadcast_in_dim3A_102 = vector.shape_cast %reduce_sum3A_101 : vector<128xf32> to vector<1x128xf32>
    %add3A_103 = arith.addf %get3A_100, %broadcast_in_dim3A_102 : vector<1x128xf32>
    %swap3A = arith.constant 0 : index
    %swap3A_104 = arith.constant 0 : index
    %swap3A_105 = vector.load %arg15[%swap3A, %swap3A_104] : memref<2x128xf32, #tpu.memory_space<vmem>>, vector<1x128xf32>
    tpu.vector_store %arg15[%swap3A, %swap3A_104], %add3A_103 {strides = array<i32>} : memref<2x128xf32, #tpu.memory_space<vmem>>, vector<1x128xf32>,
    %get3A_106 = arith.constant 1 : index
    %get3A_107 = arith.constant 0 : index
    %get3A_108 = vector.load %arg15[%get3A_106, %get3A_107] : memref<2x128xf32, #tpu.memory_space<vmem>>, vector<1x128xf32>
    %mul3A_109 = arith.mulf %add3A_95, %add3A_95 : vector<4096x128xf32>
    %reduce_sum3A_110 = arith.constant dense<0.000000e+00> : vector<128xf32>
    %reduce_sum3A_111 = vector.multi_reduction <add>, %mul3A_109, %reduce_sum3A_110 [0] : vector<4096x128xf32> to vector<128xf32>
    %broadcast_in_dim3A_112 = vector.shape_cast %reduce_sum3A_111 : vector<128xf32> to vector<1x128xf32>
    %add3A_113 = arith.addf %get3A_108, %broadcast_in_dim3A_112 : vector<1x128xf32>
    %swap3A_114 = arith.constant 1 : index
    %swap3A_115 = arith.constant 0 : index
    %swap3A_116 = vector.load %arg15[%swap3A_114, %swap3A_115] : memref<2x128xf32, #tpu.memory_space<vmem>>, vector<1x128xf32>
    tpu.vector_store %arg15[%swap3A_114, %swap3A_115], %add3A_113 {strides = array<i32>} : memref<2x128xf32, #tpu.memory_space<vmem>>, vector<1x128xf32>,
    %reshape3A_117 = vector.shape_cast %add3A_95 : vector<4096x128xf32> to vector<64x64x128xf32>
    %reduce_max3A = arith.constant dense<0xFF800000> : vector<64x128xf32>
    %reduce_max3A_118 = vector.multi_reduction <maximumf>, %reshape3A_117, %reduce_max3A [1] : vector<64x64x128xf32> to vector<64x128xf32>
    %swap3A_119 = arith.constant 0 : index
    %swap3A_120 = arith.constant 0 : index
    %swap3A_121 = vector.load %arg16[%swap3A_119, %swap3A_120] : memref<64x128xf32, #tpu.memory_space<vmem>>, vector<64x128xf32>
    tpu.vector_store %arg16[%swap3A_119, %swap3A_120], %reduce_max3A_118 {strides = array<i32>} : memref<64x128xf32, #tpu.memory_space<vmem>>, vector<64x128xf32>,
    %reduce_min3A = arith.constant dense<0x7F800000> : vector<64x128xf32>
    %reduce_min3A_122 = vector.multi_reduction <minimumf>, %reshape3A_117, %reduce_min3A [1] : vector<64x64x128xf32> to vector<64x128xf32>
    %swap3A_123 = arith.constant 0 : index
    %swap3A_124 = arith.constant 0 : index
    %swap3A_125 = vector.load %arg17[%swap3A_123, %swap3A_124] : memref<64x128xf32, #tpu.memory_space<vmem>>, vector<64x128xf32>
    tpu.vector_store %arg17[%swap3A_123, %swap3A_124], %reduce_min3A_122 {strides = array<i32>} : memref<64x128xf32, #tpu.memory_space<vmem>>, vector<64x128xf32>,
    return
  }
  func.func @transform_0(%arg0: i32) -> (i32, i32) {
    %c0_i32 = arith.constant 0 : i32
    %c0_i32_0 = arith.constant 0 : i32
    return %arg0, %c0_i32 : i32, i32
  }
  func.func @transform_1(%arg0: i32) -> (i32, i32) {
    %c0_i32 = arith.constant 0 : i32
    %c0_i32_0 = arith.constant 0 : i32
    return %arg0, %c0_i32 : i32, i32
  }
  func.func @transform_2(%arg0: i32) -> (i32, i32) {
    %c0_i32 = arith.constant 0 : i32
    %c0_i32_0 = arith.constant 0 : i32
    %c0_i32_1 = arith.constant 0 : i32
    return %c0_i32, %c0_i32_0 : i32, i32
  }
  func.func @transform_3(%arg0: i32) -> (i32, i32) {
    %c0_i32 = arith.constant 0 : i32
    %c0_i32_0 = arith.constant 0 : i32
    %c0_i32_1 = arith.constant 0 : i32
    return %c0_i32, %c0_i32_0 : i32, i32
  }
  func.func @transform_4(%arg0: i32) -> (i32, i32) {
    %c0_i32 = arith.constant 0 : i32
    %c0_i32_0 = arith.constant 0 : i32
    %c0_i32_1 = arith.constant 0 : i32
    return %c0_i32, %c0_i32_0 : i32, i32
  }
  func.func @transform_5(%arg0: i32) -> (i32, i32) {
    %c0_i32 = arith.constant 0 : i32
    %c0_i32_0 = arith.constant 0 : i32
    %c0_i32_1 = arith.constant 0 : i32
    return %c0_i32, %c0_i32_0 : i32, i32
  }
  func.func @transform_6(%arg0: i32) -> (i32, i32) {
    %c0_i32 = arith.constant 0 : i32
    %c0_i32_0 = arith.constant 0 : i32
    %c0_i32_1 = arith.constant 0 : i32
    return %c0_i32, %c0_i32_0 : i32, i32
  }
  func.func @transform_7(%arg0: i32) -> (i32, i32) {
    %c0_i32 = arith.constant 0 : i32
    %c0_i32_0 = arith.constant 0 : i32
    %c0_i32_1 = arith.constant 0 : i32
    return %c0_i32, %c0_i32_0 : i32, i32
  }
  func.func @transform_8(%arg0: i32) -> (i32, i32) {
    %c0_i32 = arith.constant 0 : i32
    %c0_i32_0 = arith.constant 0 : i32
    %c0_i32_1 = arith.constant 0 : i32
    return %c0_i32, %c0_i32_0 : i32, i32
  }
  func.func @transform_9(%arg0: i32) -> (i32, i32) {
    %c0_i32 = arith.constant 0 : i32
    %c0_i32_0 = arith.constant 0 : i32
    %c0_i32_1 = arith.constant 0 : i32
    return %c0_i32, %c0_i32_0 : i32, i32
  }
  func.func @transform_10(%arg0: i32) -> (i32, i32) {
    %c0_i32 = arith.constant 0 : i32
    %c0_i32_0 = arith.constant 0 : i32
    %c0_i32_1 = arith.constant 0 : i32
    return %c0_i32, %c0_i32_0 : i32, i32
  }
  func.func @transform_11(%arg0: i32) -> (i32, i32) {
    %c0_i32 = arith.constant 0 : i32
    %c0_i32_0 = arith.constant 0 : i32
    %c0_i32_1 = arith.constant 0 : i32
    return %c0_i32, %c0_i32_0 : i32, i32
  }
  func.func @transform_12(%arg0: i32) -> (i32, i32) {
    %c0_i32 = arith.constant 0 : i32
    %c0_i32_0 = arith.constant 0 : i32
    %c0_i32_1 = arith.constant 0 : i32
    return %c0_i32, %c0_i32_0 : i32, i32
  }
  func.func @transform_13(%arg0: i32) -> (i32, i32) {
    %c0_i32 = arith.constant 0 : i32
    %c0_i32_0 = arith.constant 0 : i32
    %c0_i32_1 = arith.constant 0 : i32
    return %c0_i32, %c0_i32_0 : i32, i32
  }
  func.func @transform_14(%arg0: i32) -> (i32, i32) {
    %c0_i32 = arith.constant 0 : i32
    %c0_i32_0 = arith.constant 0 : i32
    %c0_i32_1 = arith.constant 0 : i32
    return %c0_i32, %c0_i32_0 : i32, i32
  }
  func.func @transform_15(%arg0: i32) -> (i32, i32) {
    %c0_i32 = arith.constant 0 : i32
    %c0_i32_0 = arith.constant 0 : i32
    return %arg0, %c0_i32 : i32, i32
  }
  func.func @transform_16(%arg0: i32) -> (i32, i32) {
    %c0_i32 = arith.constant 0 : i32
    %c0_i32_0 = arith.constant 0 : i32
    return %arg0, %c0_i32 : i32, i32
  }
}

module attributes {stable_mosaic.version = 14 : i64} {
  func.func @_finalize_body(%arg0: memref<4096x128xf32, #tpu.memory_space<vmem>>, %arg1: memref<4096x128xf32, #tpu.memory_space<vmem>>, %arg2: memref<2x128xf32, #tpu.memory_space<vmem>>, %arg3: memref<1x128xf32, #tpu.memory_space<vmem>>, %arg4: memref<1x128xf32, #tpu.memory_space<vmem>>, %arg5: memref<4096x128xf32, #tpu.memory_space<vmem>>) attributes {dimension_semantics = [], scalar_prefetch = 0 : i64, scratch_operands = 0 : i64, tpu.core_type = #tpu.core_type<tc>} {
    %get3A = arith.constant 0 : index
    %get3A_0 = arith.constant 0 : index
    %get3A_1 = vector.load %arg2[%get3A, %get3A_0] : memref<2x128xf32, #tpu.memory_space<vmem>>, vector<2x128xf32>
    %slice3A = vector.extract_strided_slice %get3A_1 {offsets = [0, 0], sizes = [1, 128], strides = [1, 1]} : vector<2x128xf32> to vector<1x128xf32>
    %div3A = arith.constant 2.621440e+05 : f32
    %div3A_2 = vector.broadcast %div3A : f32 to vector<1x128xf32>
    %div3A_3 = arith.divf %slice3A, %div3A_2 : vector<1x128xf32>
    %slice3A_4 = vector.extract_strided_slice %get3A_1 {offsets = [1, 0], sizes = [1, 128], strides = [1, 1]} : vector<2x128xf32> to vector<1x128xf32>
    %div3A_5 = arith.constant 2.621440e+05 : f32
    %div3A_6 = vector.broadcast %div3A_5 : f32 to vector<1x128xf32>
    %div3A_7 = arith.divf %slice3A_4, %div3A_6 : vector<1x128xf32>
    %mul3A = arith.mulf %div3A_3, %div3A_3 : vector<1x128xf32>
    %sub3A = arith.subf %div3A_7, %mul3A : vector<1x128xf32>
    %get3A_8 = arith.constant 0 : index
    %get3A_9 = arith.constant 0 : index
    %get3A_10 = vector.load %arg3[%get3A_8, %get3A_9] : memref<1x128xf32, #tpu.memory_space<vmem>>, vector<1x128xf32>
    %add3A = arith.constant 9.99999974E-6 : f32
    %add3A_11 = vector.broadcast %add3A : f32 to vector<1x128xf32>
    %add3A_12 = arith.addf %sub3A, %add3A_11 : vector<1x128xf32>
    %sqrt3A = math.sqrt %add3A_12 : vector<1x128xf32>
    %div3A_13 = arith.divf %get3A_10, %sqrt3A : vector<1x128xf32>
    %get3A_14 = arith.constant 0 : index
    %get3A_15 = arith.constant 0 : index
    %get3A_16 = vector.load %arg4[%get3A_14, %get3A_15] : memref<1x128xf32, #tpu.memory_space<vmem>>, vector<1x128xf32>
    %mul3A_17 = arith.mulf %div3A_3, %div3A_13 : vector<1x128xf32>
    %sub3A_18 = arith.subf %get3A_16, %mul3A_17 : vector<1x128xf32>
    %ge3A = arith.constant 0.000000e+00 : f32
    %ge3A_19 = vector.broadcast %ge3A : f32 to vector<1x128xf32>
    %ge3A_20 = arith.cmpf oge, %div3A_13, %ge3A_19 : vector<1x128xf32>
    %get3A_21 = arith.constant 0 : index
    %get3A_22 = arith.constant 0 : index
    %get3A_23 = vector.load %arg0[%get3A_21, %get3A_22] : memref<4096x128xf32, #tpu.memory_space<vmem>>, vector<4096x128xf32>
    %get3A_24 = arith.constant 0 : index
    %get3A_25 = arith.constant 0 : index
    %get3A_26 = vector.load %arg1[%get3A_24, %get3A_25] : memref<4096x128xf32, #tpu.memory_space<vmem>>, vector<4096x128xf32>
    %broadcast_in_dim3A = vector.shape_cast %ge3A_20 : vector<1x128xi1> to vector<1x128xi1>
    %broadcast_in_dim3A_27 = vector.broadcast %broadcast_in_dim3A : vector<1x128xi1> to vector<4096x128xi1>
    %select_n3A = arith.select %broadcast_in_dim3A_27, %get3A_23, %get3A_26 : vector<4096x128xi1>, vector<4096x128xf32>
    %mul3A_28 = vector.broadcast %div3A_13 : vector<1x128xf32> to vector<4096x128xf32>
    %mul3A_29 = arith.mulf %select_n3A, %mul3A_28 : vector<4096x128xf32>
    %add3A_30 = vector.broadcast %sub3A_18 : vector<1x128xf32> to vector<4096x128xf32>
    %add3A_31 = arith.addf %mul3A_29, %add3A_30 : vector<4096x128xf32>
    %max3A = arith.constant 0.000000e+00 : f32
    %max3A_32 = vector.broadcast %max3A : f32 to vector<4096x128xf32>
    %max3A_33 = arith.maximumf %add3A_31, %max3A_32 : vector<4096x128xf32>
    %swap3A = arith.constant 0 : index
    %swap3A_34 = arith.constant 0 : index
    %swap3A_35 = vector.load %arg5[%swap3A, %swap3A_34] : memref<4096x128xf32, #tpu.memory_space<vmem>>, vector<4096x128xf32>
    tpu.vector_store %arg5[%swap3A, %swap3A_34], %max3A_33 {strides = array<i32>} : memref<4096x128xf32, #tpu.memory_space<vmem>>, vector<4096x128xf32>,
    return
  }
}

module attributes {stable_mosaic.version = 14 : i64} {
  func.func @_pass_body(%arg0: i32, %arg1: memref<4096x136xf32, #tpu.memory_space<vmem>>, %arg2: memref<64x136xf32, #tpu.memory_space<vmem>>, %arg3: memref<136x128xf32, #tpu.memory_space<vmem>>, %arg4: memref<1x128xf32, #tpu.memory_space<vmem>>, %arg5: memref<2x128xf32, #tpu.memory_space<vmem>>) attributes {dimension_semantics = [#tpu.dimension_semantics<arbitrary>], iteration_bounds = array<i64: 16>, scalar_prefetch = 0 : i64, scratch_operands = 0 : i64, tpu.core_type = #tpu.core_type<tc>, window_params = [{transform_indices = @transform_0, window_bounds = array<i64: 4096, 136>}, {transform_indices = @transform_1, window_bounds = array<i64: 64, 136>}, {pipeline_mode = #tpu.pipeline_mode<synchronous>, transform_indices = @transform_2, window_bounds = array<i64: 136, 128>}, {pipeline_mode = #tpu.pipeline_mode<synchronous>, transform_indices = @transform_3, window_bounds = array<i64: 1, 128>}, {pipeline_mode = #tpu.pipeline_mode<synchronous>, transform_indices = @transform_4, window_bounds = array<i64: 2, 128>}]} {
    %get3A = arith.constant 0 : index
    %get3A_0 = arith.constant 0 : index
    %get3A_1 = vector.load %arg1[%get3A, %get3A_0] : memref<4096x136xf32, #tpu.memory_space<vmem>>, vector<4096x136xf32>
    %reshape3A = vector.shape_cast %get3A_1 : vector<4096x136xf32> to vector<64x64x136xf32>
    %get3A_2 = arith.constant 0 : index
    %get3A_3 = arith.constant 0 : index
    %get3A_4 = vector.load %arg2[%get3A_2, %get3A_3] : memref<64x136xf32, #tpu.memory_space<vmem>>, vector<64x136xf32>
    %broadcast_in_dim3A = vector.shape_cast %get3A_4 : vector<64x136xf32> to vector<64x1x136xf32>
    %sub3A = vector.broadcast %broadcast_in_dim3A : vector<64x1x136xf32> to vector<64x64x136xf32>
    %sub3A_5 = arith.subf %reshape3A, %sub3A : vector<64x64x136xf32>
    %reshape3A_6 = vector.shape_cast %sub3A_5 : vector<64x64x136xf32> to vector<4096x136xf32>
    %get3A_7 = arith.constant 0 : index
    %get3A_8 = arith.constant 0 : index
    %get3A_9 = vector.load %arg3[%get3A_7, %get3A_8] : memref<136x128xf32, #tpu.memory_space<vmem>>, vector<136x128xf32>
    %dot_general3A = arith.constant dense<0.000000e+00> : vector<4096x128xf32>
    %dot_general3A_10 = tpu.matmul %reshape3A_6, %get3A_9, %dot_general3A {dimension_numbers = #tpu.dot_dimension_numbers<[1], [0], [0], [1], [0, 0, 1, 1], [], []>, transpose_lhs_hint = false} : vector<4096x136xf32>, vector<136x128xf32>, vector<4096x128xf32> -> vector<4096x128xf32>
    %get3A_11 = arith.constant 0 : index
    %get3A_12 = arith.constant 0 : index
    %get3A_13 = vector.load %arg4[%get3A_11, %get3A_12] : memref<1x128xf32, #tpu.memory_space<vmem>>, vector<1x128xf32>
    %add3A = vector.broadcast %get3A_13 : vector<1x128xf32> to vector<4096x128xf32>
    %add3A_14 = arith.addf %dot_general3A_10, %add3A : vector<4096x128xf32>
    %eq3A = arith.constant 0 : i32
    %eq3A_15 = arith.cmpi eq, %arg0, %eq3A : i32
    %convert_element_type3A = arith.extui %eq3A_15 : i1 to i32
    %cond3A = arith.constant 0 : i32
    %cond3A_16 = arith.cmpi ne, %convert_element_type3A, %cond3A : i32
    scf.if %cond3A_16 {
      %broadcast_in_dim3A_35 = arith.constant 0.000000e+00 : f32
      %broadcast_in_dim3A_36 = vector.broadcast %broadcast_in_dim3A_35 : f32 to vector<2x128xf32>
      %swap3A_37 = arith.constant 0 : index
      %swap3A_38 = arith.constant 0 : index
      %swap3A_39 = vector.load %arg5[%swap3A_37, %swap3A_38] : memref<2x128xf32, #tpu.memory_space<vmem>>, vector<2x128xf32>
      tpu.vector_store %arg5[%swap3A_37, %swap3A_38], %broadcast_in_dim3A_36 {strides = array<i32>} : memref<2x128xf32, #tpu.memory_space<vmem>>, vector<2x128xf32>,
    } else {
    }
    %get3A_17 = arith.constant 0 : index
    %get3A_18 = arith.constant 0 : index
    %get3A_19 = vector.load %arg5[%get3A_17, %get3A_18] : memref<2x128xf32, #tpu.memory_space<vmem>>, vector<1x128xf32>
    %reduce_sum3A = arith.constant dense<0.000000e+00> : vector<128xf32>
    %reduce_sum3A_20 = vector.multi_reduction <add>, %add3A_14, %reduce_sum3A [0] : vector<4096x128xf32> to vector<128xf32>
    %broadcast_in_dim3A_21 = vector.shape_cast %reduce_sum3A_20 : vector<128xf32> to vector<1x128xf32>
    %add3A_22 = arith.addf %get3A_19, %broadcast_in_dim3A_21 : vector<1x128xf32>
    %swap3A = arith.constant 0 : index
    %swap3A_23 = arith.constant 0 : index
    %swap3A_24 = vector.load %arg5[%swap3A, %swap3A_23] : memref<2x128xf32, #tpu.memory_space<vmem>>, vector<1x128xf32>
    tpu.vector_store %arg5[%swap3A, %swap3A_23], %add3A_22 {strides = array<i32>} : memref<2x128xf32, #tpu.memory_space<vmem>>, vector<1x128xf32>,
    %get3A_25 = arith.constant 1 : index
    %get3A_26 = arith.constant 0 : index
    %get3A_27 = vector.load %arg5[%get3A_25, %get3A_26] : memref<2x128xf32, #tpu.memory_space<vmem>>, vector<1x128xf32>
    %mul3A = arith.mulf %add3A_14, %add3A_14 : vector<4096x128xf32>
    %reduce_sum3A_28 = arith.constant dense<0.000000e+00> : vector<128xf32>
    %reduce_sum3A_29 = vector.multi_reduction <add>, %mul3A, %reduce_sum3A_28 [0] : vector<4096x128xf32> to vector<128xf32>
    %broadcast_in_dim3A_30 = vector.shape_cast %reduce_sum3A_29 : vector<128xf32> to vector<1x128xf32>
    %add3A_31 = arith.addf %get3A_27, %broadcast_in_dim3A_30 : vector<1x128xf32>
    %swap3A_32 = arith.constant 1 : index
    %swap3A_33 = arith.constant 0 : index
    %swap3A_34 = vector.load %arg5[%swap3A_32, %swap3A_33] : memref<2x128xf32, #tpu.memory_space<vmem>>, vector<1x128xf32>
    tpu.vector_store %arg5[%swap3A_32, %swap3A_33], %add3A_31 {strides = array<i32>} : memref<2x128xf32, #tpu.memory_space<vmem>>, vector<1x128xf32>,
    return
  }
  func.func @transform_0(%arg0: i32) -> (i32, i32) {
    %c0_i32 = arith.constant 0 : i32
    %c0_i32_0 = arith.constant 0 : i32
    return %arg0, %c0_i32 : i32, i32
  }
  func.func @transform_1(%arg0: i32) -> (i32, i32) {
    %c0_i32 = arith.constant 0 : i32
    %c0_i32_0 = arith.constant 0 : i32
    return %arg0, %c0_i32 : i32, i32
  }
  func.func @transform_2(%arg0: i32) -> (i32, i32) {
    %c0_i32 = arith.constant 0 : i32
    %c0_i32_0 = arith.constant 0 : i32
    %c0_i32_1 = arith.constant 0 : i32
    return %c0_i32, %c0_i32_0 : i32, i32
  }
  func.func @transform_3(%arg0: i32) -> (i32, i32) {
    %c0_i32 = arith.constant 0 : i32
    %c0_i32_0 = arith.constant 0 : i32
    %c0_i32_1 = arith.constant 0 : i32
    return %c0_i32, %c0_i32_0 : i32, i32
  }
  func.func @transform_4(%arg0: i32) -> (i32, i32) {
    %c0_i32 = arith.constant 0 : i32
    %c0_i32_0 = arith.constant 0 : i32
    %c0_i32_1 = arith.constant 0 : i32
    return %c0_i32, %c0_i32_0 : i32, i32
  }
}

module attributes {stable_mosaic.version = 14 : i64} {
  func.func @_pass_body(%arg0: i32, %arg1: memref<4096x136xf32, #tpu.memory_space<vmem>>, %arg2: memref<64x136xf32, #tpu.memory_space<vmem>>, %arg3: memref<136x128xf32, #tpu.memory_space<vmem>>, %arg4: memref<128x128xf32, #tpu.memory_space<vmem>>, %arg5: memref<1x128xf32, #tpu.memory_space<vmem>>, %arg6: memref<1x128xf32, #tpu.memory_space<vmem>>, %arg7: memref<1x128xf32, #tpu.memory_space<vmem>>, %arg8: memref<1x128xf32, #tpu.memory_space<vmem>>, %arg9: memref<2x128xf32, #tpu.memory_space<vmem>>, %arg10: memref<2x128xf32, #tpu.memory_space<vmem>>) attributes {dimension_semantics = [#tpu.dimension_semantics<arbitrary>], iteration_bounds = array<i64: 16>, scalar_prefetch = 0 : i64, scratch_operands = 0 : i64, tpu.core_type = #tpu.core_type<tc>, window_params = [{transform_indices = @transform_0, window_bounds = array<i64: 4096, 136>}, {transform_indices = @transform_1, window_bounds = array<i64: 64, 136>}, {pipeline_mode = #tpu.pipeline_mode<synchronous>, transform_indices = @transform_2, window_bounds = array<i64: 136, 128>}, {pipeline_mode = #tpu.pipeline_mode<synchronous>, transform_indices = @transform_3, window_bounds = array<i64: 128, 128>}, {pipeline_mode = #tpu.pipeline_mode<synchronous>, transform_indices = @transform_4, window_bounds = array<i64: 1, 128>}, {pipeline_mode = #tpu.pipeline_mode<synchronous>, transform_indices = @transform_5, window_bounds = array<i64: 1, 128>}, {pipeline_mode = #tpu.pipeline_mode<synchronous>, transform_indices = @transform_6, window_bounds = array<i64: 1, 128>}, {pipeline_mode = #tpu.pipeline_mode<synchronous>, transform_indices = @transform_7, window_bounds = array<i64: 1, 128>}, {pipeline_mode = #tpu.pipeline_mode<synchronous>, transform_indices = @transform_8, window_bounds = array<i64: 2, 128>}, {pipeline_mode = #tpu.pipeline_mode<synchronous>, transform_indices = @transform_9, window_bounds = array<i64: 2, 128>}]} {
    %get3A = arith.constant 0 : index
    %get3A_0 = arith.constant 0 : index
    %get3A_1 = vector.load %arg1[%get3A, %get3A_0] : memref<4096x136xf32, #tpu.memory_space<vmem>>, vector<4096x136xf32>
    %reshape3A = vector.shape_cast %get3A_1 : vector<4096x136xf32> to vector<64x64x136xf32>
    %get3A_2 = arith.constant 0 : index
    %get3A_3 = arith.constant 0 : index
    %get3A_4 = vector.load %arg2[%get3A_2, %get3A_3] : memref<64x136xf32, #tpu.memory_space<vmem>>, vector<64x136xf32>
    %broadcast_in_dim3A = vector.shape_cast %get3A_4 : vector<64x136xf32> to vector<64x1x136xf32>
    %sub3A = vector.broadcast %broadcast_in_dim3A : vector<64x1x136xf32> to vector<64x64x136xf32>
    %sub3A_5 = arith.subf %reshape3A, %sub3A : vector<64x64x136xf32>
    %reshape3A_6 = vector.shape_cast %sub3A_5 : vector<64x64x136xf32> to vector<4096x136xf32>
    %get3A_7 = arith.constant 0 : index
    %get3A_8 = arith.constant 0 : index
    %get3A_9 = vector.load %arg3[%get3A_7, %get3A_8] : memref<136x128xf32, #tpu.memory_space<vmem>>, vector<136x128xf32>
    %dot_general3A = arith.constant dense<0.000000e+00> : vector<4096x128xf32>
    %dot_general3A_10 = tpu.matmul %reshape3A_6, %get3A_9, %dot_general3A {dimension_numbers = #tpu.dot_dimension_numbers<[1], [0], [0], [1], [0, 0, 1, 1], [], []>, transpose_lhs_hint = false} : vector<4096x136xf32>, vector<136x128xf32>, vector<4096x128xf32> -> vector<4096x128xf32>
    %get3A_11 = arith.constant 0 : index
    %get3A_12 = arith.constant 0 : index
    %get3A_13 = vector.load %arg5[%get3A_11, %get3A_12] : memref<1x128xf32, #tpu.memory_space<vmem>>, vector<1x128xf32>
    %add3A = vector.broadcast %get3A_13 : vector<1x128xf32> to vector<4096x128xf32>
    %add3A_14 = arith.addf %dot_general3A_10, %add3A : vector<4096x128xf32>
    %get3A_15 = arith.constant 0 : index
    %get3A_16 = arith.constant 0 : index
    %get3A_17 = vector.load %arg9[%get3A_15, %get3A_16] : memref<2x128xf32, #tpu.memory_space<vmem>>, vector<2x128xf32>
    %slice3A = vector.extract_strided_slice %get3A_17 {offsets = [0, 0], sizes = [1, 128], strides = [1, 1]} : vector<2x128xf32> to vector<1x128xf32>
    %div3A = arith.constant 6.553600e+04 : f32
    %div3A_18 = vector.broadcast %div3A : f32 to vector<1x128xf32>
    %div3A_19 = arith.divf %slice3A, %div3A_18 : vector<1x128xf32>
    %slice3A_20 = vector.extract_strided_slice %get3A_17 {offsets = [1, 0], sizes = [1, 128], strides = [1, 1]} : vector<2x128xf32> to vector<1x128xf32>
    %div3A_21 = arith.constant 6.553600e+04 : f32
    %div3A_22 = vector.broadcast %div3A_21 : f32 to vector<1x128xf32>
    %div3A_23 = arith.divf %slice3A_20, %div3A_22 : vector<1x128xf32>
    %mul3A = arith.mulf %div3A_19, %div3A_19 : vector<1x128xf32>
    %sub3A_24 = arith.subf %div3A_23, %mul3A : vector<1x128xf32>
    %get3A_25 = arith.constant 0 : index
    %get3A_26 = arith.constant 0 : index
    %get3A_27 = vector.load %arg7[%get3A_25, %get3A_26] : memref<1x128xf32, #tpu.memory_space<vmem>>, vector<1x128xf32>
    %add3A_28 = arith.constant 9.99999974E-6 : f32
    %add3A_29 = vector.broadcast %add3A_28 : f32 to vector<1x128xf32>
    %add3A_30 = arith.addf %sub3A_24, %add3A_29 : vector<1x128xf32>
    %sqrt3A = math.sqrt %add3A_30 : vector<1x128xf32>
    %div3A_31 = arith.divf %get3A_27, %sqrt3A : vector<1x128xf32>
    %get3A_32 = arith.constant 0 : index
    %get3A_33 = arith.constant 0 : index
    %get3A_34 = vector.load %arg8[%get3A_32, %get3A_33] : memref<1x128xf32, #tpu.memory_space<vmem>>, vector<1x128xf32>
    %mul3A_35 = arith.mulf %div3A_19, %div3A_31 : vector<1x128xf32>
    %sub3A_36 = arith.subf %get3A_34, %mul3A_35 : vector<1x128xf32>
    %mul3A_37 = vector.broadcast %div3A_31 : vector<1x128xf32> to vector<4096x128xf32>
    %mul3A_38 = arith.mulf %add3A_14, %mul3A_37 : vector<4096x128xf32>
    %add3A_39 = vector.broadcast %sub3A_36 : vector<1x128xf32> to vector<4096x128xf32>
    %add3A_40 = arith.addf %mul3A_38, %add3A_39 : vector<4096x128xf32>
    %max3A = arith.constant 0.000000e+00 : f32
    %max3A_41 = vector.broadcast %max3A : f32 to vector<4096x128xf32>
    %max3A_42 = arith.maximumf %add3A_40, %max3A_41 : vector<4096x128xf32>
    %get3A_43 = arith.constant 0 : index
    %get3A_44 = arith.constant 0 : index
    %get3A_45 = vector.load %arg4[%get3A_43, %get3A_44] : memref<128x128xf32, #tpu.memory_space<vmem>>, vector<128x128xf32>
    %dot_general3A_46 = arith.constant dense<0.000000e+00> : vector<4096x128xf32>
    %dot_general3A_47 = tpu.matmul %max3A_42, %get3A_45, %dot_general3A_46 {dimension_numbers = #tpu.dot_dimension_numbers<[1], [0], [0], [1], [0, 0, 1, 1], [], []>, transpose_lhs_hint = false} : vector<4096x128xf32>, vector<128x128xf32>, vector<4096x128xf32> -> vector<4096x128xf32>
    %get3A_48 = arith.constant 0 : index
    %get3A_49 = arith.constant 0 : index
    %get3A_50 = vector.load %arg6[%get3A_48, %get3A_49] : memref<1x128xf32, #tpu.memory_space<vmem>>, vector<1x128xf32>
    %add3A_51 = vector.broadcast %get3A_50 : vector<1x128xf32> to vector<4096x128xf32>
    %add3A_52 = arith.addf %dot_general3A_47, %add3A_51 : vector<4096x128xf32>
    %eq3A = arith.constant 0 : i32
    %eq3A_53 = arith.cmpi eq, %arg0, %eq3A : i32
    %convert_element_type3A = arith.extui %eq3A_53 : i1 to i32
    %cond3A = arith.constant 0 : i32
    %cond3A_54 = arith.cmpi ne, %convert_element_type3A, %cond3A : i32
    scf.if %cond3A_54 {
      %broadcast_in_dim3A_74 = arith.constant 0.000000e+00 : f32
      %broadcast_in_dim3A_75 = vector.broadcast %broadcast_in_dim3A_74 : f32 to vector<2x128xf32>
      %swap3A_76 = arith.constant 0 : index
      %swap3A_77 = arith.constant 0 : index
      %swap3A_78 = vector.load %arg10[%swap3A_76, %swap3A_77] : memref<2x128xf32, #tpu.memory_space<vmem>>, vector<2x128xf32>
      tpu.vector_store %arg10[%swap3A_76, %swap3A_77], %broadcast_in_dim3A_75 {strides = array<i32>} : memref<2x128xf32, #tpu.memory_space<vmem>>, vector<2x128xf32>,
    } else {
    }
    %get3A_55 = arith.constant 0 : index
    %get3A_56 = arith.constant 0 : index
    %get3A_57 = vector.load %arg10[%get3A_55, %get3A_56] : memref<2x128xf32, #tpu.memory_space<vmem>>, vector<1x128xf32>
    %reduce_sum3A = arith.constant dense<0.000000e+00> : vector<128xf32>
    %reduce_sum3A_58 = vector.multi_reduction <add>, %add3A_52, %reduce_sum3A [0] : vector<4096x128xf32> to vector<128xf32>
    %broadcast_in_dim3A_59 = vector.shape_cast %reduce_sum3A_58 : vector<128xf32> to vector<1x128xf32>
    %add3A_60 = arith.addf %get3A_57, %broadcast_in_dim3A_59 : vector<1x128xf32>
    %swap3A = arith.constant 0 : index
    %swap3A_61 = arith.constant 0 : index
    %swap3A_62 = vector.load %arg10[%swap3A, %swap3A_61] : memref<2x128xf32, #tpu.memory_space<vmem>>, vector<1x128xf32>
    tpu.vector_store %arg10[%swap3A, %swap3A_61], %add3A_60 {strides = array<i32>} : memref<2x128xf32, #tpu.memory_space<vmem>>, vector<1x128xf32>,
    %get3A_63 = arith.constant 1 : index
    %get3A_64 = arith.constant 0 : index
    %get3A_65 = vector.load %arg10[%get3A_63, %get3A_64] : memref<2x128xf32, #tpu.memory_space<vmem>>, vector<1x128xf32>
    %mul3A_66 = arith.mulf %add3A_52, %add3A_52 : vector<4096x128xf32>
    %reduce_sum3A_67 = arith.constant dense<0.000000e+00> : vector<128xf32>
    %reduce_sum3A_68 = vector.multi_reduction <add>, %mul3A_66, %reduce_sum3A_67 [0] : vector<4096x128xf32> to vector<128xf32>
    %broadcast_in_dim3A_69 = vector.shape_cast %reduce_sum3A_68 : vector<128xf32> to vector<1x128xf32>
    %add3A_70 = arith.addf %get3A_65, %broadcast_in_dim3A_69 : vector<1x128xf32>
    %swap3A_71 = arith.constant 1 : index
    %swap3A_72 = arith.constant 0 : index
    %swap3A_73 = vector.load %arg10[%swap3A_71, %swap3A_72] : memref<2x128xf32, #tpu.memory_space<vmem>>, vector<1x128xf32>
    tpu.vector_store %arg10[%swap3A_71, %swap3A_72], %add3A_70 {strides = array<i32>} : memref<2x128xf32, #tpu.memory_space<vmem>>, vector<1x128xf32>,
    return
  }
  func.func @transform_0(%arg0: i32) -> (i32, i32) {
    %c0_i32 = arith.constant 0 : i32
    %c0_i32_0 = arith.constant 0 : i32
    return %arg0, %c0_i32 : i32, i32
  }
  func.func @transform_1(%arg0: i32) -> (i32, i32) {
    %c0_i32 = arith.constant 0 : i32
    %c0_i32_0 = arith.constant 0 : i32
    return %arg0, %c0_i32 : i32, i32
  }
  func.func @transform_2(%arg0: i32) -> (i32, i32) {
    %c0_i32 = arith.constant 0 : i32
    %c0_i32_0 = arith.constant 0 : i32
    %c0_i32_1 = arith.constant 0 : i32
    return %c0_i32, %c0_i32_0 : i32, i32
  }
  func.func @transform_3(%arg0: i32) -> (i32, i32) {
    %c0_i32 = arith.constant 0 : i32
    %c0_i32_0 = arith.constant 0 : i32
    %c0_i32_1 = arith.constant 0 : i32
    return %c0_i32, %c0_i32_0 : i32, i32
  }
  func.func @transform_4(%arg0: i32) -> (i32, i32) {
    %c0_i32 = arith.constant 0 : i32
    %c0_i32_0 = arith.constant 0 : i32
    %c0_i32_1 = arith.constant 0 : i32
    return %c0_i32, %c0_i32_0 : i32, i32
  }
  func.func @transform_5(%arg0: i32) -> (i32, i32) {
    %c0_i32 = arith.constant 0 : i32
    %c0_i32_0 = arith.constant 0 : i32
    %c0_i32_1 = arith.constant 0 : i32
    return %c0_i32, %c0_i32_0 : i32, i32
  }
  func.func @transform_6(%arg0: i32) -> (i32, i32) {
    %c0_i32 = arith.constant 0 : i32
    %c0_i32_0 = arith.constant 0 : i32
    %c0_i32_1 = arith.constant 0 : i32
    return %c0_i32, %c0_i32_0 : i32, i32
  }
  func.func @transform_7(%arg0: i32) -> (i32, i32) {
    %c0_i32 = arith.constant 0 : i32
    %c0_i32_0 = arith.constant 0 : i32
    %c0_i32_1 = arith.constant 0 : i32
    return %c0_i32, %c0_i32_0 : i32, i32
  }
  func.func @transform_8(%arg0: i32) -> (i32, i32) {
    %c0_i32 = arith.constant 0 : i32
    %c0_i32_0 = arith.constant 0 : i32
    %c0_i32_1 = arith.constant 0 : i32
    return %c0_i32, %c0_i32_0 : i32, i32
  }
  func.func @transform_9(%arg0: i32) -> (i32, i32) {
    %c0_i32 = arith.constant 0 : i32
    %c0_i32_0 = arith.constant 0 : i32
    %c0_i32_1 = arith.constant 0 : i32
    return %c0_i32, %c0_i32_0 : i32, i32
  }
}

module attributes {stable_mosaic.version = 14 : i64} {
  func.func @_pass_body(%arg0: i32, %arg1: memref<4096x136xf32, #tpu.memory_space<vmem>>, %arg2: memref<64x136xf32, #tpu.memory_space<vmem>>, %arg3: memref<136x128xf32, #tpu.memory_space<vmem>>, %arg4: memref<128x128xf32, #tpu.memory_space<vmem>>, %arg5: memref<128x256xf32, #tpu.memory_space<vmem>>, %arg6: memref<1x128xf32, #tpu.memory_space<vmem>>, %arg7: memref<1x128xf32, #tpu.memory_space<vmem>>, %arg8: memref<1x256xf32, #tpu.memory_space<vmem>>, %arg9: memref<1x128xf32, #tpu.memory_space<vmem>>, %arg10: memref<1x128xf32, #tpu.memory_space<vmem>>, %arg11: memref<1x128xf32, #tpu.memory_space<vmem>>, %arg12: memref<1x128xf32, #tpu.memory_space<vmem>>, %arg13: memref<2x128xf32, #tpu.memory_space<vmem>>, %arg14: memref<2x128xf32, #tpu.memory_space<vmem>>, %arg15: memref<2x256xf32, #tpu.memory_space<vmem>>, %arg16: memref<64x256xf32, #tpu.memory_space<vmem>>, %arg17: memref<64x256xf32, #tpu.memory_space<vmem>>) attributes {dimension_semantics = [#tpu.dimension_semantics<arbitrary>], iteration_bounds = array<i64: 16>, scalar_prefetch = 0 : i64, scratch_operands = 0 : i64, tpu.core_type = #tpu.core_type<tc>, window_params = [{transform_indices = @transform_0, window_bounds = array<i64: 4096, 136>}, {transform_indices = @transform_1, window_bounds = array<i64: 64, 136>}, {pipeline_mode = #tpu.pipeline_mode<synchronous>, transform_indices = @transform_2, window_bounds = array<i64: 136, 128>}, {pipeline_mode = #tpu.pipeline_mode<synchronous>, transform_indices = @transform_3, window_bounds = array<i64: 128, 128>}, {pipeline_mode = #tpu.pipeline_mode<synchronous>, transform_indices = @transform_4, window_bounds = array<i64: 128, 256>}, {pipeline_mode = #tpu.pipeline_mode<synchronous>, transform_indices = @transform_5, window_bounds = array<i64: 1, 128>}, {pipeline_mode = #tpu.pipeline_mode<synchronous>, transform_indices = @transform_6, window_bounds = array<i64: 1, 128>}, {pipeline_mode = #tpu.pipeline_mode<synchronous>, transform_indices = @transform_7, window_bounds = array<i64: 1, 256>}, {pipeline_mode = #tpu.pipeline_mode<synchronous>, transform_indices = @transform_8, window_bounds = array<i64: 1, 128>}, {pipeline_mode = #tpu.pipeline_mode<synchronous>, transform_indices = @transform_9, window_bounds = array<i64: 1, 128>}, {pipeline_mode = #tpu.pipeline_mode<synchronous>, transform_indices = @transform_10, window_bounds = array<i64: 1, 128>}, {pipeline_mode = #tpu.pipeline_mode<synchronous>, transform_indices = @transform_11, window_bounds = array<i64: 1, 128>}, {pipeline_mode = #tpu.pipeline_mode<synchronous>, transform_indices = @transform_12, window_bounds = array<i64: 2, 128>}, {pipeline_mode = #tpu.pipeline_mode<synchronous>, transform_indices = @transform_13, window_bounds = array<i64: 2, 128>}, {pipeline_mode = #tpu.pipeline_mode<synchronous>, transform_indices = @transform_14, window_bounds = array<i64: 2, 256>}, {transform_indices = @transform_15, window_bounds = array<i64: 64, 256>}, {transform_indices = @transform_16, window_bounds = array<i64: 64, 256>}]} {
    %get3A = arith.constant 0 : index
    %get3A_0 = arith.constant 0 : index
    %get3A_1 = vector.load %arg1[%get3A, %get3A_0] : memref<4096x136xf32, #tpu.memory_space<vmem>>, vector<4096x136xf32>
    %reshape3A = vector.shape_cast %get3A_1 : vector<4096x136xf32> to vector<64x64x136xf32>
    %get3A_2 = arith.constant 0 : index
    %get3A_3 = arith.constant 0 : index
    %get3A_4 = vector.load %arg2[%get3A_2, %get3A_3] : memref<64x136xf32, #tpu.memory_space<vmem>>, vector<64x136xf32>
    %broadcast_in_dim3A = vector.shape_cast %get3A_4 : vector<64x136xf32> to vector<64x1x136xf32>
    %sub3A = vector.broadcast %broadcast_in_dim3A : vector<64x1x136xf32> to vector<64x64x136xf32>
    %sub3A_5 = arith.subf %reshape3A, %sub3A : vector<64x64x136xf32>
    %reshape3A_6 = vector.shape_cast %sub3A_5 : vector<64x64x136xf32> to vector<4096x136xf32>
    %get3A_7 = arith.constant 0 : index
    %get3A_8 = arith.constant 0 : index
    %get3A_9 = vector.load %arg3[%get3A_7, %get3A_8] : memref<136x128xf32, #tpu.memory_space<vmem>>, vector<136x128xf32>
    %dot_general3A = arith.constant dense<0.000000e+00> : vector<4096x128xf32>
    %dot_general3A_10 = tpu.matmul %reshape3A_6, %get3A_9, %dot_general3A {dimension_numbers = #tpu.dot_dimension_numbers<[1], [0], [0], [1], [0, 0, 1, 1], [], []>, transpose_lhs_hint = false} : vector<4096x136xf32>, vector<136x128xf32>, vector<4096x128xf32> -> vector<4096x128xf32>
    %get3A_11 = arith.constant 0 : index
    %get3A_12 = arith.constant 0 : index
    %get3A_13 = vector.load %arg6[%get3A_11, %get3A_12] : memref<1x128xf32, #tpu.memory_space<vmem>>, vector<1x128xf32>
    %add3A = vector.broadcast %get3A_13 : vector<1x128xf32> to vector<4096x128xf32>
    %add3A_14 = arith.addf %dot_general3A_10, %add3A : vector<4096x128xf32>
    %get3A_15 = arith.constant 0 : index
    %get3A_16 = arith.constant 0 : index
    %get3A_17 = vector.load %arg13[%get3A_15, %get3A_16] : memref<2x128xf32, #tpu.memory_space<vmem>>, vector<2x128xf32>
    %slice3A = vector.extract_strided_slice %get3A_17 {offsets = [0, 0], sizes = [1, 128], strides = [1, 1]} : vector<2x128xf32> to vector<1x128xf32>
    %div3A = arith.constant 6.553600e+04 : f32
    %div3A_18 = vector.broadcast %div3A : f32 to vector<1x128xf32>
    %div3A_19 = arith.divf %slice3A, %div3A_18 : vector<1x128xf32>
    %slice3A_20 = vector.extract_strided_slice %get3A_17 {offsets = [1, 0], sizes = [1, 128], strides = [1, 1]} : vector<2x128xf32> to vector<1x128xf32>
    %div3A_21 = arith.constant 6.553600e+04 : f32
    %div3A_22 = vector.broadcast %div3A_21 : f32 to vector<1x128xf32>
    %div3A_23 = arith.divf %slice3A_20, %div3A_22 : vector<1x128xf32>
    %mul3A = arith.mulf %div3A_19, %div3A_19 : vector<1x128xf32>
    %sub3A_24 = arith.subf %div3A_23, %mul3A : vector<1x128xf32>
    %get3A_25 = arith.constant 0 : index
    %get3A_26 = arith.constant 0 : index
    %get3A_27 = vector.load %arg9[%get3A_25, %get3A_26] : memref<1x128xf32, #tpu.memory_space<vmem>>, vector<1x128xf32>
    %add3A_28 = arith.constant 9.99999974E-6 : f32
    %add3A_29 = vector.broadcast %add3A_28 : f32 to vector<1x128xf32>
    %add3A_30 = arith.addf %sub3A_24, %add3A_29 : vector<1x128xf32>
    %sqrt3A = math.sqrt %add3A_30 : vector<1x128xf32>
    %div3A_31 = arith.divf %get3A_27, %sqrt3A : vector<1x128xf32>
    %get3A_32 = arith.constant 0 : index
    %get3A_33 = arith.constant 0 : index
    %get3A_34 = vector.load %arg11[%get3A_32, %get3A_33] : memref<1x128xf32, #tpu.memory_space<vmem>>, vector<1x128xf32>
    %mul3A_35 = arith.mulf %div3A_19, %div3A_31 : vector<1x128xf32>
    %sub3A_36 = arith.subf %get3A_34, %mul3A_35 : vector<1x128xf32>
    %mul3A_37 = vector.broadcast %div3A_31 : vector<1x128xf32> to vector<4096x128xf32>
    %mul3A_38 = arith.mulf %add3A_14, %mul3A_37 : vector<4096x128xf32>
    %add3A_39 = vector.broadcast %sub3A_36 : vector<1x128xf32> to vector<4096x128xf32>
    %add3A_40 = arith.addf %mul3A_38, %add3A_39 : vector<4096x128xf32>
    %max3A = arith.constant 0.000000e+00 : f32
    %max3A_41 = vector.broadcast %max3A : f32 to vector<4096x128xf32>
    %max3A_42 = arith.maximumf %add3A_40, %max3A_41 : vector<4096x128xf32>
    %get3A_43 = arith.constant 0 : index
    %get3A_44 = arith.constant 0 : index
    %get3A_45 = vector.load %arg4[%get3A_43, %get3A_44] : memref<128x128xf32, #tpu.memory_space<vmem>>, vector<128x128xf32>
    %dot_general3A_46 = arith.constant dense<0.000000e+00> : vector<4096x128xf32>
    %dot_general3A_47 = tpu.matmul %max3A_42, %get3A_45, %dot_general3A_46 {dimension_numbers = #tpu.dot_dimension_numbers<[1], [0], [0], [1], [0, 0, 1, 1], [], []>, transpose_lhs_hint = false} : vector<4096x128xf32>, vector<128x128xf32>, vector<4096x128xf32> -> vector<4096x128xf32>
    %get3A_48 = arith.constant 0 : index
    %get3A_49 = arith.constant 0 : index
    %get3A_50 = vector.load %arg7[%get3A_48, %get3A_49] : memref<1x128xf32, #tpu.memory_space<vmem>>, vector<1x128xf32>
    %add3A_51 = vector.broadcast %get3A_50 : vector<1x128xf32> to vector<4096x128xf32>
    %add3A_52 = arith.addf %dot_general3A_47, %add3A_51 : vector<4096x128xf32>
    %get3A_53 = arith.constant 0 : index
    %get3A_54 = arith.constant 0 : index
    %get3A_55 = vector.load %arg14[%get3A_53, %get3A_54] : memref<2x128xf32, #tpu.memory_space<vmem>>, vector<2x128xf32>
    %slice3A_56 = vector.extract_strided_slice %get3A_55 {offsets = [0, 0], sizes = [1, 128], strides = [1, 1]} : vector<2x128xf32> to vector<1x128xf32>
    %div3A_57 = arith.constant 6.553600e+04 : f32
    %div3A_58 = vector.broadcast %div3A_57 : f32 to vector<1x128xf32>
    %div3A_59 = arith.divf %slice3A_56, %div3A_58 : vector<1x128xf32>
    %slice3A_60 = vector.extract_strided_slice %get3A_55 {offsets = [1, 0], sizes = [1, 128], strides = [1, 1]} : vector<2x128xf32> to vector<1x128xf32>
    %div3A_61 = arith.constant 6.553600e+04 : f32
    %div3A_62 = vector.broadcast %div3A_61 : f32 to vector<1x128xf32>
    %div3A_63 = arith.divf %slice3A_60, %div3A_62 : vector<1x128xf32>
    %mul3A_64 = arith.mulf %div3A_59, %div3A_59 : vector<1x128xf32>
    %sub3A_65 = arith.subf %div3A_63, %mul3A_64 : vector<1x128xf32>
    %get3A_66 = arith.constant 0 : index
    %get3A_67 = arith.constant 0 : index
    %get3A_68 = vector.load %arg10[%get3A_66, %get3A_67] : memref<1x128xf32, #tpu.memory_space<vmem>>, vector<1x128xf32>
    %add3A_69 = arith.constant 9.99999974E-6 : f32
    %add3A_70 = vector.broadcast %add3A_69 : f32 to vector<1x128xf32>
    %add3A_71 = arith.addf %sub3A_65, %add3A_70 : vector<1x128xf32>
    %sqrt3A_72 = math.sqrt %add3A_71 : vector<1x128xf32>
    %div3A_73 = arith.divf %get3A_68, %sqrt3A_72 : vector<1x128xf32>
    %get3A_74 = arith.constant 0 : index
    %get3A_75 = arith.constant 0 : index
    %get3A_76 = vector.load %arg12[%get3A_74, %get3A_75] : memref<1x128xf32, #tpu.memory_space<vmem>>, vector<1x128xf32>
    %mul3A_77 = arith.mulf %div3A_59, %div3A_73 : vector<1x128xf32>
    %sub3A_78 = arith.subf %get3A_76, %mul3A_77 : vector<1x128xf32>
    %mul3A_79 = vector.broadcast %div3A_73 : vector<1x128xf32> to vector<4096x128xf32>
    %mul3A_80 = arith.mulf %add3A_52, %mul3A_79 : vector<4096x128xf32>
    %add3A_81 = vector.broadcast %sub3A_78 : vector<1x128xf32> to vector<4096x128xf32>
    %add3A_82 = arith.addf %mul3A_80, %add3A_81 : vector<4096x128xf32>
    %max3A_83 = arith.constant 0.000000e+00 : f32
    %max3A_84 = vector.broadcast %max3A_83 : f32 to vector<4096x128xf32>
    %max3A_85 = arith.maximumf %add3A_82, %max3A_84 : vector<4096x128xf32>
    %get3A_86 = arith.constant 0 : index
    %get3A_87 = arith.constant 0 : index
    %get3A_88 = vector.load %arg5[%get3A_86, %get3A_87] : memref<128x256xf32, #tpu.memory_space<vmem>>, vector<128x256xf32>
    %dot_general3A_89 = arith.constant dense<0.000000e+00> : vector<4096x256xf32>
    %dot_general3A_90 = tpu.matmul %max3A_85, %get3A_88, %dot_general3A_89 {dimension_numbers = #tpu.dot_dimension_numbers<[1], [0], [0], [1], [0, 0, 1, 1], [], []>, transpose_lhs_hint = false} : vector<4096x128xf32>, vector<128x256xf32>, vector<4096x256xf32> -> vector<4096x256xf32>
    %get3A_91 = arith.constant 0 : index
    %get3A_92 = arith.constant 0 : index
    %get3A_93 = vector.load %arg8[%get3A_91, %get3A_92] : memref<1x256xf32, #tpu.memory_space<vmem>>, vector<1x256xf32>
    %add3A_94 = vector.broadcast %get3A_93 : vector<1x256xf32> to vector<4096x256xf32>
    %add3A_95 = arith.addf %dot_general3A_90, %add3A_94 : vector<4096x256xf32>
    %eq3A = arith.constant 0 : i32
    %eq3A_96 = arith.cmpi eq, %arg0, %eq3A : i32
    %convert_element_type3A = arith.extui %eq3A_96 : i1 to i32
    %cond3A = arith.constant 0 : i32
    %cond3A_97 = arith.cmpi ne, %convert_element_type3A, %cond3A : i32
    scf.if %cond3A_97 {
      %broadcast_in_dim3A_126 = arith.constant 0.000000e+00 : f32
      %broadcast_in_dim3A_127 = vector.broadcast %broadcast_in_dim3A_126 : f32 to vector<2x256xf32>
      %swap3A_128 = arith.constant 0 : index
      %swap3A_129 = arith.constant 0 : index
      %swap3A_130 = vector.load %arg15[%swap3A_128, %swap3A_129] : memref<2x256xf32, #tpu.memory_space<vmem>>, vector<2x256xf32>
      tpu.vector_store %arg15[%swap3A_128, %swap3A_129], %broadcast_in_dim3A_127 {strides = array<i32>} : memref<2x256xf32, #tpu.memory_space<vmem>>, vector<2x256xf32>,
    } else {
    }
    %get3A_98 = arith.constant 0 : index
    %get3A_99 = arith.constant 0 : index
    %get3A_100 = vector.load %arg15[%get3A_98, %get3A_99] : memref<2x256xf32, #tpu.memory_space<vmem>>, vector<1x256xf32>
    %reduce_sum3A = arith.constant dense<0.000000e+00> : vector<256xf32>
    %reduce_sum3A_101 = vector.multi_reduction <add>, %add3A_95, %reduce_sum3A [0] : vector<4096x256xf32> to vector<256xf32>
    %broadcast_in_dim3A_102 = vector.shape_cast %reduce_sum3A_101 : vector<256xf32> to vector<1x256xf32>
    %add3A_103 = arith.addf %get3A_100, %broadcast_in_dim3A_102 : vector<1x256xf32>
    %swap3A = arith.constant 0 : index
    %swap3A_104 = arith.constant 0 : index
    %swap3A_105 = vector.load %arg15[%swap3A, %swap3A_104] : memref<2x256xf32, #tpu.memory_space<vmem>>, vector<1x256xf32>
    tpu.vector_store %arg15[%swap3A, %swap3A_104], %add3A_103 {strides = array<i32>} : memref<2x256xf32, #tpu.memory_space<vmem>>, vector<1x256xf32>,
    %get3A_106 = arith.constant 1 : index
    %get3A_107 = arith.constant 0 : index
    %get3A_108 = vector.load %arg15[%get3A_106, %get3A_107] : memref<2x256xf32, #tpu.memory_space<vmem>>, vector<1x256xf32>
    %mul3A_109 = arith.mulf %add3A_95, %add3A_95 : vector<4096x256xf32>
    %reduce_sum3A_110 = arith.constant dense<0.000000e+00> : vector<256xf32>
    %reduce_sum3A_111 = vector.multi_reduction <add>, %mul3A_109, %reduce_sum3A_110 [0] : vector<4096x256xf32> to vector<256xf32>
    %broadcast_in_dim3A_112 = vector.shape_cast %reduce_sum3A_111 : vector<256xf32> to vector<1x256xf32>
    %add3A_113 = arith.addf %get3A_108, %broadcast_in_dim3A_112 : vector<1x256xf32>
    %swap3A_114 = arith.constant 1 : index
    %swap3A_115 = arith.constant 0 : index
    %swap3A_116 = vector.load %arg15[%swap3A_114, %swap3A_115] : memref<2x256xf32, #tpu.memory_space<vmem>>, vector<1x256xf32>
    tpu.vector_store %arg15[%swap3A_114, %swap3A_115], %add3A_113 {strides = array<i32>} : memref<2x256xf32, #tpu.memory_space<vmem>>, vector<1x256xf32>,
    %reshape3A_117 = vector.shape_cast %add3A_95 : vector<4096x256xf32> to vector<64x64x256xf32>
    %reduce_max3A = arith.constant dense<0xFF800000> : vector<64x256xf32>
    %reduce_max3A_118 = vector.multi_reduction <maximumf>, %reshape3A_117, %reduce_max3A [1] : vector<64x64x256xf32> to vector<64x256xf32>
    %swap3A_119 = arith.constant 0 : index
    %swap3A_120 = arith.constant 0 : index
    %swap3A_121 = vector.load %arg16[%swap3A_119, %swap3A_120] : memref<64x256xf32, #tpu.memory_space<vmem>>, vector<64x256xf32>
    tpu.vector_store %arg16[%swap3A_119, %swap3A_120], %reduce_max3A_118 {strides = array<i32>} : memref<64x256xf32, #tpu.memory_space<vmem>>, vector<64x256xf32>,
    %reduce_min3A = arith.constant dense<0x7F800000> : vector<64x256xf32>
    %reduce_min3A_122 = vector.multi_reduction <minimumf>, %reshape3A_117, %reduce_min3A [1] : vector<64x64x256xf32> to vector<64x256xf32>
    %swap3A_123 = arith.constant 0 : index
    %swap3A_124 = arith.constant 0 : index
    %swap3A_125 = vector.load %arg17[%swap3A_123, %swap3A_124] : memref<64x256xf32, #tpu.memory_space<vmem>>, vector<64x256xf32>
    tpu.vector_store %arg17[%swap3A_123, %swap3A_124], %reduce_min3A_122 {strides = array<i32>} : memref<64x256xf32, #tpu.memory_space<vmem>>, vector<64x256xf32>,
    return
  }
  func.func @transform_0(%arg0: i32) -> (i32, i32) {
    %c0_i32 = arith.constant 0 : i32
    %c0_i32_0 = arith.constant 0 : i32
    return %arg0, %c0_i32 : i32, i32
  }
  func.func @transform_1(%arg0: i32) -> (i32, i32) {
    %c0_i32 = arith.constant 0 : i32
    %c0_i32_0 = arith.constant 0 : i32
    return %arg0, %c0_i32 : i32, i32
  }
  func.func @transform_2(%arg0: i32) -> (i32, i32) {
    %c0_i32 = arith.constant 0 : i32
    %c0_i32_0 = arith.constant 0 : i32
    %c0_i32_1 = arith.constant 0 : i32
    return %c0_i32, %c0_i32_0 : i32, i32
  }
  func.func @transform_3(%arg0: i32) -> (i32, i32) {
    %c0_i32 = arith.constant 0 : i32
    %c0_i32_0 = arith.constant 0 : i32
    %c0_i32_1 = arith.constant 0 : i32
    return %c0_i32, %c0_i32_0 : i32, i32
  }
  func.func @transform_4(%arg0: i32) -> (i32, i32) {
    %c0_i32 = arith.constant 0 : i32
    %c0_i32_0 = arith.constant 0 : i32
    %c0_i32_1 = arith.constant 0 : i32
    return %c0_i32, %c0_i32_0 : i32, i32
  }
  func.func @transform_5(%arg0: i32) -> (i32, i32) {
    %c0_i32 = arith.constant 0 : i32
    %c0_i32_0 = arith.constant 0 : i32
    %c0_i32_1 = arith.constant 0 : i32
    return %c0_i32, %c0_i32_0 : i32, i32
  }
  func.func @transform_6(%arg0: i32) -> (i32, i32) {
    %c0_i32 = arith.constant 0 : i32
    %c0_i32_0 = arith.constant 0 : i32
    %c0_i32_1 = arith.constant 0 : i32
    return %c0_i32, %c0_i32_0 : i32, i32
  }
  func.func @transform_7(%arg0: i32) -> (i32, i32) {
    %c0_i32 = arith.constant 0 : i32
    %c0_i32_0 = arith.constant 0 : i32
    %c0_i32_1 = arith.constant 0 : i32
    return %c0_i32, %c0_i32_0 : i32, i32
  }
  func.func @transform_8(%arg0: i32) -> (i32, i32) {
    %c0_i32 = arith.constant 0 : i32
    %c0_i32_0 = arith.constant 0 : i32
    %c0_i32_1 = arith.constant 0 : i32
    return %c0_i32, %c0_i32_0 : i32, i32
  }
  func.func @transform_9(%arg0: i32) -> (i32, i32) {
    %c0_i32 = arith.constant 0 : i32
    %c0_i32_0 = arith.constant 0 : i32
    %c0_i32_1 = arith.constant 0 : i32
    return %c0_i32, %c0_i32_0 : i32, i32
  }
  func.func @transform_10(%arg0: i32) -> (i32, i32) {
    %c0_i32 = arith.constant 0 : i32
    %c0_i32_0 = arith.constant 0 : i32
    %c0_i32_1 = arith.constant 0 : i32
    return %c0_i32, %c0_i32_0 : i32, i32
  }
  func.func @transform_11(%arg0: i32) -> (i32, i32) {
    %c0_i32 = arith.constant 0 : i32
    %c0_i32_0 = arith.constant 0 : i32
    %c0_i32_1 = arith.constant 0 : i32
    return %c0_i32, %c0_i32_0 : i32, i32
  }
  func.func @transform_12(%arg0: i32) -> (i32, i32) {
    %c0_i32 = arith.constant 0 : i32
    %c0_i32_0 = arith.constant 0 : i32
    %c0_i32_1 = arith.constant 0 : i32
    return %c0_i32, %c0_i32_0 : i32, i32
  }
  func.func @transform_13(%arg0: i32) -> (i32, i32) {
    %c0_i32 = arith.constant 0 : i32
    %c0_i32_0 = arith.constant 0 : i32
    %c0_i32_1 = arith.constant 0 : i32
    return %c0_i32, %c0_i32_0 : i32, i32
  }
  func.func @transform_14(%arg0: i32) -> (i32, i32) {
    %c0_i32 = arith.constant 0 : i32
    %c0_i32_0 = arith.constant 0 : i32
    %c0_i32_1 = arith.constant 0 : i32
    return %c0_i32, %c0_i32_0 : i32, i32
  }
  func.func @transform_15(%arg0: i32) -> (i32, i32) {
    %c0_i32 = arith.constant 0 : i32
    %c0_i32_0 = arith.constant 0 : i32
    return %arg0, %c0_i32 : i32, i32
  }
  func.func @transform_16(%arg0: i32) -> (i32, i32) {
    %c0_i32 = arith.constant 0 : i32
    %c0_i32_0 = arith.constant 0 : i32
    return %arg0, %c0_i32 : i32, i32
  }
}

module attributes {stable_mosaic.version = 14 : i64} {
  func.func @_finalize_body(%arg0: memref<1024x256xf32, #tpu.memory_space<vmem>>, %arg1: memref<1024x256xf32, #tpu.memory_space<vmem>>, %arg2: memref<2x256xf32, #tpu.memory_space<vmem>>, %arg3: memref<1x256xf32, #tpu.memory_space<vmem>>, %arg4: memref<1x256xf32, #tpu.memory_space<vmem>>, %arg5: memref<1024x256xf32, #tpu.memory_space<vmem>>) attributes {dimension_semantics = [], scalar_prefetch = 0 : i64, scratch_operands = 0 : i64, tpu.core_type = #tpu.core_type<tc>} {
    %get3A = arith.constant 0 : index
    %get3A_0 = arith.constant 0 : index
    %get3A_1 = vector.load %arg2[%get3A, %get3A_0] : memref<2x256xf32, #tpu.memory_space<vmem>>, vector<2x256xf32>
    %slice3A = vector.extract_strided_slice %get3A_1 {offsets = [0, 0], sizes = [1, 256], strides = [1, 1]} : vector<2x256xf32> to vector<1x256xf32>
    %div3A = arith.constant 6.553600e+04 : f32
    %div3A_2 = vector.broadcast %div3A : f32 to vector<1x256xf32>
    %div3A_3 = arith.divf %slice3A, %div3A_2 : vector<1x256xf32>
    %slice3A_4 = vector.extract_strided_slice %get3A_1 {offsets = [1, 0], sizes = [1, 256], strides = [1, 1]} : vector<2x256xf32> to vector<1x256xf32>
    %div3A_5 = arith.constant 6.553600e+04 : f32
    %div3A_6 = vector.broadcast %div3A_5 : f32 to vector<1x256xf32>
    %div3A_7 = arith.divf %slice3A_4, %div3A_6 : vector<1x256xf32>
    %mul3A = arith.mulf %div3A_3, %div3A_3 : vector<1x256xf32>
    %sub3A = arith.subf %div3A_7, %mul3A : vector<1x256xf32>
    %get3A_8 = arith.constant 0 : index
    %get3A_9 = arith.constant 0 : index
    %get3A_10 = vector.load %arg3[%get3A_8, %get3A_9] : memref<1x256xf32, #tpu.memory_space<vmem>>, vector<1x256xf32>
    %add3A = arith.constant 9.99999974E-6 : f32
    %add3A_11 = vector.broadcast %add3A : f32 to vector<1x256xf32>
    %add3A_12 = arith.addf %sub3A, %add3A_11 : vector<1x256xf32>
    %sqrt3A = math.sqrt %add3A_12 : vector<1x256xf32>
    %div3A_13 = arith.divf %get3A_10, %sqrt3A : vector<1x256xf32>
    %get3A_14 = arith.constant 0 : index
    %get3A_15 = arith.constant 0 : index
    %get3A_16 = vector.load %arg4[%get3A_14, %get3A_15] : memref<1x256xf32, #tpu.memory_space<vmem>>, vector<1x256xf32>
    %mul3A_17 = arith.mulf %div3A_3, %div3A_13 : vector<1x256xf32>
    %sub3A_18 = arith.subf %get3A_16, %mul3A_17 : vector<1x256xf32>
    %ge3A = arith.constant 0.000000e+00 : f32
    %ge3A_19 = vector.broadcast %ge3A : f32 to vector<1x256xf32>
    %ge3A_20 = arith.cmpf oge, %div3A_13, %ge3A_19 : vector<1x256xf32>
    %get3A_21 = arith.constant 0 : index
    %get3A_22 = arith.constant 0 : index
    %get3A_23 = vector.load %arg0[%get3A_21, %get3A_22] : memref<1024x256xf32, #tpu.memory_space<vmem>>, vector<1024x256xf32>
    %get3A_24 = arith.constant 0 : index
    %get3A_25 = arith.constant 0 : index
    %get3A_26 = vector.load %arg1[%get3A_24, %get3A_25] : memref<1024x256xf32, #tpu.memory_space<vmem>>, vector<1024x256xf32>
    %broadcast_in_dim3A = vector.shape_cast %ge3A_20 : vector<1x256xi1> to vector<1x256xi1>
    %broadcast_in_dim3A_27 = vector.broadcast %broadcast_in_dim3A : vector<1x256xi1> to vector<1024x256xi1>
    %select_n3A = arith.select %broadcast_in_dim3A_27, %get3A_23, %get3A_26 : vector<1024x256xi1>, vector<1024x256xf32>
    %mul3A_28 = vector.broadcast %div3A_13 : vector<1x256xf32> to vector<1024x256xf32>
    %mul3A_29 = arith.mulf %select_n3A, %mul3A_28 : vector<1024x256xf32>
    %add3A_30 = vector.broadcast %sub3A_18 : vector<1x256xf32> to vector<1024x256xf32>
    %add3A_31 = arith.addf %mul3A_29, %add3A_30 : vector<1024x256xf32>
    %max3A = arith.constant 0.000000e+00 : f32
    %max3A_32 = vector.broadcast %max3A : f32 to vector<1024x256xf32>
    %max3A_33 = arith.maximumf %add3A_31, %max3A_32 : vector<1024x256xf32>
    %swap3A = arith.constant 0 : index
    %swap3A_34 = arith.constant 0 : index
    %swap3A_35 = vector.load %arg5[%swap3A, %swap3A_34] : memref<1024x256xf32, #tpu.memory_space<vmem>>, vector<1024x256xf32>
    tpu.vector_store %arg5[%swap3A, %swap3A_34], %max3A_33 {strides = array<i32>} : memref<1024x256xf32, #tpu.memory_space<vmem>>, vector<1024x256xf32>,
    return
  }
}

module attributes {stable_mosaic.version = 14 : i64} {
  func.func @_sa3dec_body(%arg0: memref<1024x264xf32, #tpu.memory_space<vmem>>, %arg1: memref<264x256xf32, #tpu.memory_space<vmem>>, %arg2: memref<1x256xf32, #tpu.memory_space<vmem>>, %arg3: memref<1x256xf32, #tpu.memory_space<vmem>>, %arg4: memref<1x256xf32, #tpu.memory_space<vmem>>, %arg5: memref<256x256xf32, #tpu.memory_space<vmem>>, %arg6: memref<1x256xf32, #tpu.memory_space<vmem>>, %arg7: memref<1x256xf32, #tpu.memory_space<vmem>>, %arg8: memref<1x256xf32, #tpu.memory_space<vmem>>, %arg9: memref<256x1024xf32, #tpu.memory_space<vmem>>, %arg10: memref<1x1024xf32, #tpu.memory_space<vmem>>, %arg11: memref<1x1024xf32, #tpu.memory_space<vmem>>, %arg12: memref<1x1024xf32, #tpu.memory_space<vmem>>, %arg13: memref<1024x256xf32, #tpu.memory_space<vmem>>, %arg14: memref<1x256xf32, #tpu.memory_space<vmem>>, %arg15: memref<256x256xf32, #tpu.memory_space<vmem>>, %arg16: memref<1x256xf32, #tpu.memory_space<vmem>>, %arg17: memref<256x768xf32, #tpu.memory_space<vmem>>, %arg18: memref<1x768xf32, #tpu.memory_space<vmem>>, %arg19: memref<8x768xf32, #tpu.memory_space<vmem>>) attributes {dimension_semantics = [], scalar_prefetch = 0 : i64, scratch_operands = 0 : i64, tpu.core_type = #tpu.core_type<tc>} {
    %get3A = arith.constant 0 : index
    %get3A_0 = arith.constant 0 : index
    %get3A_1 = vector.load %arg0[%get3A, %get3A_0] : memref<1024x264xf32, #tpu.memory_space<vmem>>, vector<1024x264xf32>
    %get3A_2 = arith.constant 0 : index
    %get3A_3 = arith.constant 0 : index
    %get3A_4 = vector.load %arg1[%get3A_2, %get3A_3] : memref<264x256xf32, #tpu.memory_space<vmem>>, vector<264x256xf32>
    %dot_general3A = arith.constant dense<0.000000e+00> : vector<1024x256xf32>
    %dot_general3A_5 = tpu.matmul %get3A_1, %get3A_4, %dot_general3A {dimension_numbers = #tpu.dot_dimension_numbers<[1], [0], [0], [1], [0, 0, 1, 1], [], []>, transpose_lhs_hint = false} : vector<1024x264xf32>, vector<264x256xf32>, vector<1024x256xf32> -> vector<1024x256xf32>
    %get3A_6 = arith.constant 0 : index
    %get3A_7 = arith.constant 0 : index
    %get3A_8 = vector.load %arg2[%get3A_6, %get3A_7] : memref<1x256xf32, #tpu.memory_space<vmem>>, vector<1x256xf32>
    %add3A = vector.broadcast %get3A_8 : vector<1x256xf32> to vector<1024x256xf32>
    %add3A_9 = arith.addf %dot_general3A_5, %add3A : vector<1024x256xf32>
    %reduce_sum3A = arith.constant dense<0.000000e+00> : vector<256xf32>
    %reduce_sum3A_10 = vector.multi_reduction <add>, %add3A_9, %reduce_sum3A [0] : vector<1024x256xf32> to vector<256xf32>
    %broadcast_in_dim3A = vector.shape_cast %reduce_sum3A_10 : vector<256xf32> to vector<1x256xf32>
    %div3A = arith.constant 1.024000e+03 : f32
    %div3A_11 = vector.broadcast %div3A : f32 to vector<1x256xf32>
    %div3A_12 = arith.divf %broadcast_in_dim3A, %div3A_11 : vector<1x256xf32>
    %sub3A = vector.broadcast %div3A_12 : vector<1x256xf32> to vector<1024x256xf32>
    %sub3A_13 = arith.subf %add3A_9, %sub3A : vector<1024x256xf32>
    %mul3A = arith.mulf %sub3A_13, %sub3A_13 : vector<1024x256xf32>
    %reduce_sum3A_14 = arith.constant dense<0.000000e+00> : vector<256xf32>
    %reduce_sum3A_15 = vector.multi_reduction <add>, %mul3A, %reduce_sum3A_14 [0] : vector<1024x256xf32> to vector<256xf32>
    %broadcast_in_dim3A_16 = vector.shape_cast %reduce_sum3A_15 : vector<256xf32> to vector<1x256xf32>
    %div3A_17 = arith.constant 1.024000e+03 : f32
    %div3A_18 = vector.broadcast %div3A_17 : f32 to vector<1x256xf32>
    %div3A_19 = arith.divf %broadcast_in_dim3A_16, %div3A_18 : vector<1x256xf32>
    %add3A_20 = arith.constant 9.99999974E-6 : f32
    %add3A_21 = vector.broadcast %add3A_20 : f32 to vector<1x256xf32>
    %add3A_22 = arith.addf %div3A_19, %add3A_21 : vector<1x256xf32>
    %sqrt3A = math.sqrt %add3A_22 : vector<1x256xf32>
    %div3A_23 = vector.broadcast %sqrt3A : vector<1x256xf32> to vector<1024x256xf32>
    %div3A_24 = arith.divf %sub3A_13, %div3A_23 : vector<1024x256xf32>
    %get3A_25 = arith.constant 0 : index
    %get3A_26 = arith.constant 0 : index
    %get3A_27 = vector.load %arg3[%get3A_25, %get3A_26] : memref<1x256xf32, #tpu.memory_space<vmem>>, vector<1x256xf32>
    %mul3A_28 = vector.broadcast %get3A_27 : vector<1x256xf32> to vector<1024x256xf32>
    %mul3A_29 = arith.mulf %div3A_24, %mul3A_28 : vector<1024x256xf32>
    %get3A_30 = arith.constant 0 : index
    %get3A_31 = arith.constant 0 : index
    %get3A_32 = vector.load %arg4[%get3A_30, %get3A_31] : memref<1x256xf32, #tpu.memory_space<vmem>>, vector<1x256xf32>
    %add3A_33 = vector.broadcast %get3A_32 : vector<1x256xf32> to vector<1024x256xf32>
    %add3A_34 = arith.addf %mul3A_29, %add3A_33 : vector<1024x256xf32>
    %max3A = arith.constant 0.000000e+00 : f32
    %max3A_35 = vector.broadcast %max3A : f32 to vector<1024x256xf32>
    %max3A_36 = arith.maximumf %add3A_34, %max3A_35 : vector<1024x256xf32>
    %get3A_37 = arith.constant 0 : index
    %get3A_38 = arith.constant 0 : index
    %get3A_39 = vector.load %arg5[%get3A_37, %get3A_38] : memref<256x256xf32, #tpu.memory_space<vmem>>, vector<256x256xf32>
    %dot_general3A_40 = arith.constant dense<0.000000e+00> : vector<1024x256xf32>
    %dot_general3A_41 = tpu.matmul %max3A_36, %get3A_39, %dot_general3A_40 {dimension_numbers = #tpu.dot_dimension_numbers<[1], [0], [0], [1], [0, 0, 1, 1], [], []>, transpose_lhs_hint = false} : vector<1024x256xf32>, vector<256x256xf32>, vector<1024x256xf32> -> vector<1024x256xf32>
    %get3A_42 = arith.constant 0 : index
    %get3A_43 = arith.constant 0 : index
    %get3A_44 = vector.load %arg6[%get3A_42, %get3A_43] : memref<1x256xf32, #tpu.memory_space<vmem>>, vector<1x256xf32>
    %add3A_45 = vector.broadcast %get3A_44 : vector<1x256xf32> to vector<1024x256xf32>
    %add3A_46 = arith.addf %dot_general3A_41, %add3A_45 : vector<1024x256xf32>
    %reduce_sum3A_47 = arith.constant dense<0.000000e+00> : vector<256xf32>
    %reduce_sum3A_48 = vector.multi_reduction <add>, %add3A_46, %reduce_sum3A_47 [0] : vector<1024x256xf32> to vector<256xf32>
    %broadcast_in_dim3A_49 = vector.shape_cast %reduce_sum3A_48 : vector<256xf32> to vector<1x256xf32>
    %div3A_50 = arith.constant 1.024000e+03 : f32
    %div3A_51 = vector.broadcast %div3A_50 : f32 to vector<1x256xf32>
    %div3A_52 = arith.divf %broadcast_in_dim3A_49, %div3A_51 : vector<1x256xf32>
    %sub3A_53 = vector.broadcast %div3A_52 : vector<1x256xf32> to vector<1024x256xf32>
    %sub3A_54 = arith.subf %add3A_46, %sub3A_53 : vector<1024x256xf32>
    %mul3A_55 = arith.mulf %sub3A_54, %sub3A_54 : vector<1024x256xf32>
    %reduce_sum3A_56 = arith.constant dense<0.000000e+00> : vector<256xf32>
    %reduce_sum3A_57 = vector.multi_reduction <add>, %mul3A_55, %reduce_sum3A_56 [0] : vector<1024x256xf32> to vector<256xf32>
    %broadcast_in_dim3A_58 = vector.shape_cast %reduce_sum3A_57 : vector<256xf32> to vector<1x256xf32>
    %div3A_59 = arith.constant 1.024000e+03 : f32
    %div3A_60 = vector.broadcast %div3A_59 : f32 to vector<1x256xf32>
    %div3A_61 = arith.divf %broadcast_in_dim3A_58, %div3A_60 : vector<1x256xf32>
    %add3A_62 = arith.constant 9.99999974E-6 : f32
    %add3A_63 = vector.broadcast %add3A_62 : f32 to vector<1x256xf32>
    %add3A_64 = arith.addf %div3A_61, %add3A_63 : vector<1x256xf32>
    %sqrt3A_65 = math.sqrt %add3A_64 : vector<1x256xf32>
    %div3A_66 = vector.broadcast %sqrt3A_65 : vector<1x256xf32> to vector<1024x256xf32>
    %div3A_67 = arith.divf %sub3A_54, %div3A_66 : vector<1024x256xf32>
    %get3A_68 = arith.constant 0 : index
    %get3A_69 = arith.constant 0 : index
    %get3A_70 = vector.load %arg7[%get3A_68, %get3A_69] : memref<1x256xf32, #tpu.memory_space<vmem>>, vector<1x256xf32>
    %mul3A_71 = vector.broadcast %get3A_70 : vector<1x256xf32> to vector<1024x256xf32>
    %mul3A_72 = arith.mulf %div3A_67, %mul3A_71 : vector<1024x256xf32>
    %get3A_73 = arith.constant 0 : index
    %get3A_74 = arith.constant 0 : index
    %get3A_75 = vector.load %arg8[%get3A_73, %get3A_74] : memref<1x256xf32, #tpu.memory_space<vmem>>, vector<1x256xf32>
    %add3A_76 = vector.broadcast %get3A_75 : vector<1x256xf32> to vector<1024x256xf32>
    %add3A_77 = arith.addf %mul3A_72, %add3A_76 : vector<1024x256xf32>
    %max3A_78 = arith.constant 0.000000e+00 : f32
    %max3A_79 = vector.broadcast %max3A_78 : f32 to vector<1024x256xf32>
    %max3A_80 = arith.maximumf %add3A_77, %max3A_79 : vector<1024x256xf32>
    %get3A_81 = arith.constant 0 : index
    %get3A_82 = arith.constant 0 : index
    %get3A_83 = vector.load %arg9[%get3A_81, %get3A_82] : memref<256x1024xf32, #tpu.memory_space<vmem>>, vector<256x1024xf32>
    %dot_general3A_84 = arith.constant dense<0.000000e+00> : vector<1024x1024xf32>
    %dot_general3A_85 = tpu.matmul %max3A_80, %get3A_83, %dot_general3A_84 {dimension_numbers = #tpu.dot_dimension_numbers<[1], [0], [0], [1], [0, 0, 1, 1], [], []>, transpose_lhs_hint = false} : vector<1024x256xf32>, vector<256x1024xf32>, vector<1024x1024xf32> -> vector<1024x1024xf32>
    %get3A_86 = arith.constant 0 : index
    %get3A_87 = arith.constant 0 : index
    %get3A_88 = vector.load %arg10[%get3A_86, %get3A_87] : memref<1x1024xf32, #tpu.memory_space<vmem>>, vector<1x1024xf32>
    %add3A_89 = vector.broadcast %get3A_88 : vector<1x1024xf32> to vector<1024x1024xf32>
    %add3A_90 = arith.addf %dot_general3A_85, %add3A_89 : vector<1024x1024xf32>
    %reduce_sum3A_91 = arith.constant dense<0.000000e+00> : vector<1024xf32>
    %reduce_sum3A_92 = vector.multi_reduction <add>, %add3A_90, %reduce_sum3A_91 [0] : vector<1024x1024xf32> to vector<1024xf32>
    %broadcast_in_dim3A_93 = vector.shape_cast %reduce_sum3A_92 : vector<1024xf32> to vector<1x1024xf32>
    %div3A_94 = arith.constant 1.024000e+03 : f32
    %div3A_95 = vector.broadcast %div3A_94 : f32 to vector<1x1024xf32>
    %div3A_96 = arith.divf %broadcast_in_dim3A_93, %div3A_95 : vector<1x1024xf32>
    %sub3A_97 = vector.broadcast %div3A_96 : vector<1x1024xf32> to vector<1024x1024xf32>
    %sub3A_98 = arith.subf %add3A_90, %sub3A_97 : vector<1024x1024xf32>
    %mul3A_99 = arith.mulf %sub3A_98, %sub3A_98 : vector<1024x1024xf32>
    %reduce_sum3A_100 = arith.constant dense<0.000000e+00> : vector<1024xf32>
    %reduce_sum3A_101 = vector.multi_reduction <add>, %mul3A_99, %reduce_sum3A_100 [0] : vector<1024x1024xf32> to vector<1024xf32>
    %broadcast_in_dim3A_102 = vector.shape_cast %reduce_sum3A_101 : vector<1024xf32> to vector<1x1024xf32>
    %div3A_103 = arith.constant 1.024000e+03 : f32
    %div3A_104 = vector.broadcast %div3A_103 : f32 to vector<1x1024xf32>
    %div3A_105 = arith.divf %broadcast_in_dim3A_102, %div3A_104 : vector<1x1024xf32>
    %add3A_106 = arith.constant 9.99999974E-6 : f32
    %add3A_107 = vector.broadcast %add3A_106 : f32 to vector<1x1024xf32>
    %add3A_108 = arith.addf %div3A_105, %add3A_107 : vector<1x1024xf32>
    %sqrt3A_109 = math.sqrt %add3A_108 : vector<1x1024xf32>
    %div3A_110 = vector.broadcast %sqrt3A_109 : vector<1x1024xf32> to vector<1024x1024xf32>
    %div3A_111 = arith.divf %sub3A_98, %div3A_110 : vector<1024x1024xf32>
    %get3A_112 = arith.constant 0 : index
    %get3A_113 = arith.constant 0 : index
    %get3A_114 = vector.load %arg11[%get3A_112, %get3A_113] : memref<1x1024xf32, #tpu.memory_space<vmem>>, vector<1x1024xf32>
    %mul3A_115 = vector.broadcast %get3A_114 : vector<1x1024xf32> to vector<1024x1024xf32>
    %mul3A_116 = arith.mulf %div3A_111, %mul3A_115 : vector<1024x1024xf32>
    %get3A_117 = arith.constant 0 : index
    %get3A_118 = arith.constant 0 : index
    %get3A_119 = vector.load %arg12[%get3A_117, %get3A_118] : memref<1x1024xf32, #tpu.memory_space<vmem>>, vector<1x1024xf32>
    %add3A_120 = vector.broadcast %get3A_119 : vector<1x1024xf32> to vector<1024x1024xf32>
    %add3A_121 = arith.addf %mul3A_116, %add3A_120 : vector<1024x1024xf32>
    %max3A_122 = arith.constant 0.000000e+00 : f32
    %max3A_123 = vector.broadcast %max3A_122 : f32 to vector<1024x1024xf32>
    %max3A_124 = arith.maximumf %add3A_121, %max3A_123 : vector<1024x1024xf32>
    %reshape3A = vector.shape_cast %max3A_124 : vector<1024x1024xf32> to vector<8x128x1024xf32>
    %reduce_max3A = arith.constant dense<0xFF800000> : vector<8x1024xf32>
    %reduce_max3A_125 = vector.multi_reduction <maximumf>, %reshape3A, %reduce_max3A [1] : vector<8x128x1024xf32> to vector<8x1024xf32>
    %get3A_126 = arith.constant 0 : index
    %get3A_127 = arith.constant 0 : index
    %get3A_128 = vector.load %arg13[%get3A_126, %get3A_127] : memref<1024x256xf32, #tpu.memory_space<vmem>>, vector<1024x256xf32>
    %dot_general3A_129 = arith.constant dense<0.000000e+00> : vector<8x256xf32>
    %dot_general3A_130 = tpu.matmul %reduce_max3A_125, %get3A_128, %dot_general3A_129 {dimension_numbers = #tpu.dot_dimension_numbers<[1], [0], [0], [1], [0, 0, 1, 1], [], []>, transpose_lhs_hint = false} : vector<8x1024xf32>, vector<1024x256xf32>, vector<8x256xf32> -> vector<8x256xf32>
    %get3A_131 = arith.constant 0 : index
    %get3A_132 = arith.constant 0 : index
    %get3A_133 = vector.load %arg14[%get3A_131, %get3A_132] : memref<1x256xf32, #tpu.memory_space<vmem>>, vector<1x256xf32>
    %add3A_134 = vector.broadcast %get3A_133 : vector<1x256xf32> to vector<8x256xf32>
    %add3A_135 = arith.addf %dot_general3A_130, %add3A_134 : vector<8x256xf32>
    %max3A_136 = arith.constant 0.000000e+00 : f32
    %max3A_137 = vector.broadcast %max3A_136 : f32 to vector<8x256xf32>
    %max3A_138 = arith.maximumf %add3A_135, %max3A_137 : vector<8x256xf32>
    %get3A_139 = arith.constant 0 : index
    %get3A_140 = arith.constant 0 : index
    %get3A_141 = vector.load %arg15[%get3A_139, %get3A_140] : memref<256x256xf32, #tpu.memory_space<vmem>>, vector<256x256xf32>
    %dot_general3A_142 = arith.constant dense<0.000000e+00> : vector<8x256xf32>
    %dot_general3A_143 = tpu.matmul %max3A_138, %get3A_141, %dot_general3A_142 {dimension_numbers = #tpu.dot_dimension_numbers<[1], [0], [0], [1], [0, 0, 1, 1], [], []>, transpose_lhs_hint = false} : vector<8x256xf32>, vector<256x256xf32>, vector<8x256xf32> -> vector<8x256xf32>
    %get3A_144 = arith.constant 0 : index
    %get3A_145 = arith.constant 0 : index
    %get3A_146 = vector.load %arg16[%get3A_144, %get3A_145] : memref<1x256xf32, #tpu.memory_space<vmem>>, vector<1x256xf32>
    %add3A_147 = vector.broadcast %get3A_146 : vector<1x256xf32> to vector<8x256xf32>
    %add3A_148 = arith.addf %dot_general3A_143, %add3A_147 : vector<8x256xf32>
    %max3A_149 = arith.constant 0.000000e+00 : f32
    %max3A_150 = vector.broadcast %max3A_149 : f32 to vector<8x256xf32>
    %max3A_151 = arith.maximumf %add3A_148, %max3A_150 : vector<8x256xf32>
    %get3A_152 = arith.constant 0 : index
    %get3A_153 = arith.constant 0 : index
    %get3A_154 = vector.load %arg17[%get3A_152, %get3A_153] : memref<256x768xf32, #tpu.memory_space<vmem>>, vector<256x768xf32>
    %dot_general3A_155 = arith.constant dense<0.000000e+00> : vector<8x768xf32>
    %dot_general3A_156 = tpu.matmul %max3A_151, %get3A_154, %dot_general3A_155 {dimension_numbers = #tpu.dot_dimension_numbers<[1], [0], [0], [1], [0, 0, 1, 1], [], []>, transpose_lhs_hint = false} : vector<8x256xf32>, vector<256x768xf32>, vector<8x768xf32> -> vector<8x768xf32>
    %get3A_157 = arith.constant 0 : index
    %get3A_158 = arith.constant 0 : index
    %get3A_159 = vector.load %arg18[%get3A_157, %get3A_158] : memref<1x768xf32, #tpu.memory_space<vmem>>, vector<1x768xf32>
    %add3A_160 = vector.broadcast %get3A_159 : vector<1x768xf32> to vector<8x768xf32>
    %add3A_161 = arith.addf %dot_general3A_156, %add3A_160 : vector<8x768xf32>
    %swap3A = arith.constant 0 : index
    %swap3A_162 = arith.constant 0 : index
    %swap3A_163 = vector.load %arg19[%swap3A, %swap3A_162] : memref<8x768xf32, #tpu.memory_space<vmem>>, vector<8x768xf32>
    tpu.vector_store %arg19[%swap3A, %swap3A_162], %add3A_161 {strides = array<i32>} : memref<8x768xf32, #tpu.memory_space<vmem>>, vector<8x768xf32>,
    return
  }
}

</mosaic_0001>

<sc_bundles>
// kernel: kernel.17.cloned.1.call-start
scs
__scs_entry_jumppad:
0x0: {  	(pc) =	sbr.rel $0x88, $3  }
0x1: {  	(tag) =	ssettag $0x0;
	lr =	simm.s32 $0x1  }
0x2: {  	[smem:$0x3F76] =	sst lr;
	_ =	strace $0xD0000000  }
0x3: {  	_ = 	snop  }
0x4: {  	_ = 	snop  }
0x5: {  	_ = 	snop  }
0x6: {  	_ = 	snop  }
0x7: {  	_ = 	snop  }
__scs_overlays_trampoline_lowered:
0x8: {  	[smem:$0x3F85] =	sst s0  }
0x9: {  	[smem:$0x3F86] =	sst s1  }
0xa: {  	[smem:$0x3F87] =	sst s2  }
0xb: {  	[smem:$0x3F88] =	sst s3  }
0xc: {  	[smem:$0x3F89] =	sst s4  }
0xd: {  	[smem:$0x3F8A] =	sst s5  }
0xe: {  	[smem:$0x3F8B] =	sst s6  }
0xf: {  	[smem:$0x3F8C] =	sst s7  }
0x10: {  	[smem:$0x3F8D] =	sst s8  }
0x11: {  	[smem:$0x3F8E] =	sst s9;
	s0 =	simm.s32 @!p0 $0x0  }
0x12: {  	s1 =	sld [smem:$0x3F74];
	s0 =	simm.s32 @p0 $0x1  }
0x13: {  	[smem:$0x3F8F] =	sst s0;
	s0 =	simm.s32 @!p1 $0x0  }
0x14: {  	s2 =	sld [smem:$0x3F73];
	s0 =	simm.s32 @p1 $0x1  }
0x15: {  	[smem:$0x3F90] =	sst s0;
	s0 =	simm.s32 @!p2 $0x0  }
0x16: {  	s3 =	sld [smem:$0x3FDB];
	s0 =	simm.s32 @p2 $0x1  }
0x17: {  	s4 =	simm.s32 $0x1BF5;
	[smem:$0x3F92] =	sst s0  }
0x18: {  	s0 =	sld [smem:$0x3F75];
	_ =	swait.ge [sflag:s4], $0x0  }
0x19: {  	s7 =	sld [smem:$0x3F76]  }
0x1a: {  	s8 =	sadd.s32 $0xFFFFE003, lr  }
0x1b: {  	s9 =	sadd.s32 $0xFFFFFEF7, lr;
	s5 =	simm.s32 $0xFFFFFFFF;
	p2 =	slt.u32 s8, $0xFFFFF086  }
0x1c: {  	p1 =	slt.u32 s9, $0xF7A;
	s5 =	simm.s32 @!p2 $0x0  }
0x1d: {  	s5 =	simm.s32 @p1 $0x1;
	p0 =	seq.s32 s7, s2  }
0x1e: {  	s7 =	smul.u32 @!p0 $0xF7A, s2;
	p2 =	seq.s32 @!p0 s5, $0x0  }
0x1f: {  	s9 =	smul.u32 $0xF7A, s1;
	s8 =	simm.s32 @!p0 $0x1BF5;
	p2 =	por !p2, p0  }
0x20: {  	[sflag:s8] =	ssyncset.s32 @!p0 $0xFFFFF086;
	s6 =	sadd.s32 @!p0 s3, s7;
	s7 =	simm.s32 @!p0 $0x108  }
0x21: {  	s3 =	sadd.s32 s3, s9;
	s6 =	sadd.s32 @!p0 $0x88, s6;
	s7 =	simm.s32 @p2 $0x1082  }
0x22: {  	[simem:s7], [sflag:s8] =	dma.local @!p0 [hbm:s6], $0xF7A  }
0x23: {  	s9 =	sor.u32 $0xD0000000, s2;
	s6 =	simm.s32 $0x108;
	_ =	swait.ge @!p0 [sflag:s8], $0x0  }
0x24: {  	s3 =	sadd.s32 $0x88, s3;
	s6 =	simm.s32 @!p1 $0x1082;
	[sflag:s4] =	ssyncset.s32 $0xFFFFF086  }
0x25: {  	[simem:s6], [sflag:s4] =	dma.local [hbm:s3], $0xF7A  }
0x26: {  	[smem:$0x3F76] =	sst s1;
	(tag) =	ssettag s2;
	_ =	strace s9  }
0x27: {  	s1 =	sld [smem:$0x3F86]  }
0x28: {  	s2 =	sld [smem:$0x3F87]  }
0x29: {  	s4 =	sld [smem:$0x3F89]  }
0x2a: {  	p0 =	seq.s32 s5, $0x0;
	s5 =	sld [smem:$0x3F8A]  }
0x2b: {  	s6 =	sld [smem:$0x3F8B]  }
0x2c: {  	s7 =	sld [smem:$0x3F8C]  }
0x2d: {  	s3 =	simm.s32 $0x108;
	s8 =	sld [smem:$0x3F8D]  }
0x2e: {  	s3 =	simm.s32 @!p0 $0x1082;
	s9 =	sld [smem:$0x3F8E]  }
0x2f: {  	lr =	sadd.s32 s0, s3;
	s0 =	sld [smem:$0x3F85]  }
0x30: {  	s3 =	sld [smem:$0x3F88]  }
0x31: {  	[smem:$0x3F91] =	sst s10  }
0x32: {  	s10 =	sld [smem:$0x3F8F];
	_ =	sdelay $0x3  }
0x33: {  	p0 =	seq.s32 s10, $0x1;
	s10 =	sld [smem:$0x3F91];
	_ =	sdelay $0x3  }
0x34: {  	[smem:$0x3F91] =	sst s10  }
0x35: {  	s10 =	sld [smem:$0x3F90];
	_ =	sdelay $0x3  }
0x36: {  	p1 =	seq.s32 s10, $0x1;
	s10 =	sld [smem:$0x3F91];
	_ =	sdelay $0x3  }
0x37: {  	[smem:$0x3F91] =	sst s10  }
0x38: {  	s10 =	sld [smem:$0x3F92]  }
0x39: {  	_ = 	snop;
	(pc) =	sbr.ind lr, $3  }
0x3a: {  	_ = 	snop  }
0x3b: {  	_ = 	snop  }
0x3c: {  	p2 =	seq.s32 s10, $0x1;
	s10 =	sld [smem:$0x3F91]  }
0x3d: {  	_ =	shalt  }
0x3e: {  	_ =	shalt  }
0x3f: {  	_ =	shalt  }
0x40: {  	_ =	shalt  }
0x41: {  	_ =	shalt  }
0x42: {  	_ =	shalt  }
0x43: {  	_ =	shalt  }
0x44: {  	_ =	shalt  }
0x45: {  	_ =	shalt  }
0x46: {  	_ =	shalt  }
0x47: {  	_ =	shalt  }
0x48: {  	_ =	shalt  }
0x49: {  	_ =	shalt  }
0x4a: {  	_ =	shalt  }
0x4b: {  	_ =	shalt  }
0x4c: {  	_ =	shalt  }
0x4d: {  	_ =	shalt  }
0x4e: {  	_ =	shalt  }
0x4f: {  	_ =	shalt  }
0x50: {  	_ =	shalt  }
0x51: {  	_ =	shalt  }
0x52: {  	_ =	shalt  }
0x53: {  	_ =	shalt  }
0x54: {  	_ =	shalt  }
0x55: {  	_ =	shalt  }
0x56: {  	_ =	shalt  }
0x57: {  	_ =	shalt  }
0x58: {  	_ =	shalt  }
0x59: {  	_ =	shalt  }
0x5a: {  	_ =	shalt  }
0x5b: {  	_ =	shalt  }
0x5c: {  	_ =	shalt  }
0x5d: {  	_ =	shalt  }
0x5e: {  	_ =	shalt  }
0x5f: {  	_ =	shalt  }
0x60: {  	_ =	shalt  }
0x61: {  	_ =	shalt  }
0x62: {  	_ =	shalt  }
0x63: {  	_ =	shalt  }
0x64: {  	_ =	shalt  }
0x65: {  	_ =	shalt  }
0x66: {  	_ =	shalt  }
0x67: {  	_ =	shalt  }
0x68: {  	_ =	shalt  }
0x69: {  	_ =	shalt  }
0x6a: {  	_ =	shalt  }
0x6b: {  	_ =	shalt  }
0x6c: {  	_ =	shalt  }
0x6d: {  	_ =	shalt  }
0x6e: {  	_ =	shalt  }
0x6f: {  	_ =	shalt  }
0x70: {  	_ =	shalt  }
0x71: {  	_ =	shalt  }
0x72: {  	_ =	shalt  }
0x73: {  	_ =	shalt  }
0x74: {  	_ =	shalt  }
0x75: {  	_ =	shalt  }
0x76: {  	_ =	shalt  }
0x77: {  	_ =	shalt  }
0x78: {  	_ =	shalt  }
0x79: {  	_ =	shalt  }
0x7a: {  	_ =	shalt  }
0x7b: {  	_ =	shalt  }
0x7c: {  	_ =	shalt  }
0x7d: {  	_ =	shalt  }
0x7e: {  	_ =	shalt  }
0x7f: {  	_ =	shalt  }
0x80: {  	_ =	shalt  }
0x81: {  	_ =	shalt  }
0x82: {  	_ =	shalt  }
0x83: {  	_ =	shalt  }
0x84: {  	_ =	shalt  }
0x85: {  	_ =	shalt  }
0x86: {  	_ =	shalt  }
0x87: {  	_ =	shalt  }
.Lfunc_end0:
.L_simem_size_0:
called_computation_lowered:
.L_overlay_start_0:
0x88: {  	s2 =	sld [smem:$0x3FD9]  }
0x89: {  	s3 =	sld [smem:$0x3FFE];
	_ =	sdelay $0x1  }
0x8a: {  	s1 =	srdreg.scid  }
0x8b: {  	s0 =	sand.u32 $0x1, s1  }
0x8c: {  	s16 =	sshll.u32 s0, $0xA;
	s2 =	sadd.s32 s3, s2  }
0x8d: {  	s2 =	sadd.s32 s2, s16  }
0x8e: {  	[smem:$0x3F9D] =	sst s2  }
0x8f: {  	_ = 	snop  }
0x90: {  	(tm) =	ssettm $0x1  }
0x91: {  	s17 =	sld [smem:$0x3FFB];
	_ =	sdelay $0x3  }
0x92: {  	_ =	strace s17  }
0x93: {  	s2 =	sld [smem:$0x3FFC];
	_ =	sdelay $0x3  }
0x94: {  	_ =	strace s2  }
0x95: {  	s2 =	sld [smem:$0x3FFD];
	_ =	sdelay $0x3  }
0x96: {  	_ =	strace s2  }
0x97: {  	_ =	strace $0x8FFFFFFF  }
0x98: {  	s18 =	sld [smem:$0x3FDB];
	_ =	sdelay $0x1  }
0x99: {  	s19 =	simm.s32 $_scs_section_size  }
0x9a: {  	s4 =	simm.s32 $_size__tile_overlayer_lowered;
	s5 =	simm.s32 $_tile_overlayer_lowered  }
0x9b: {  	s22 =	simm.s32 $0x1BFF;
	s21 =	sshll.u32 s5, $0x1;
	s2 =	sadd.s32 s19, s18  }
0x9c: {  	s6 =	simm.s32 $0x0;
	s20 =	sshll.u32 s4, $0x1;
	s4 =	sadd.s32 s21, s2  }
0x9d: {  	[timem:s6], [sflag:s22] =	dma.local [hbm:s4], s20  }
0x9e: {  	_ =	swait.ge [sflag:s22], s20  }
0x9f: {  	s3 =	ssub.s32 $0x0, s20;
	[sflag:s22] =	ssyncset.done $0x0  }
0xa0: {  	[sflag:s22] =	ssyncadd.s32 s3;
	_ =	sdelay $0x1  }
0xa1: {  	s23 =	simm.s32 $0x1B8B  }
0xa2: {  	_ =	swait.ge [sflag:s23], $0x1  }
0xa3: {  	[sflag:s23] =	ssyncset.done $0x0  }
0xa4: {  	s25 =	simm.s32 $0x1B8E;
	s24 =	sld [smem:$0x3FFE];
	[sflag:s23] =	ssyncadd.s32 $0xFFFFFFFF  }
0xa5: {  	s26 =	simm.s32 $execute0_lowered;
	[smem:$0x3FD2] =	sst s25  }
0xa6: {  	s4 =	sshll.u32 s26, $0x1;
	_ =	strace $0x80000046;
	[dreg:$0x1] =	wrdreg $0xFFFFFFFF  }
0xa7: {  	s28 =	simm.s32 $_size_execute0_lowered;
	s2 =	sadd.s32 s2, s4;
	[dreg:$0x0] =	wrdreg $0x0  }
0xa8: {  	s4 =	sshll.u32 s28, $0x1;
	[dreg:$0x2] =	wrdreg s2  }
0xa9: {  	[dreg:$0x3] =	wrdreg s4  }
0xaa: {  	[dreg:$0x4] =	wrdreg $0xC0  }
0xab: {  	_ =	task [dreg:s6], $0x5FFFF  }
0xac: {  	[dreg:$0x1] =	wrdreg $0xFFFFFFFF  }
0xad: {  	[dreg:$0x0] =	wrdreg $0x60  }
0xae: {  	[dreg:$0x2] =	wrdreg s24  }
0xaf: {  	[dreg:$0x3] =	wrdreg $0x9  }
0xb0: {  	_ =	task.clear_ibuf [dreg:s6], $0x4FFFF;
	_ =	strace $0x90000046  }
0xb1: {  	s29 =	simm.s32 $0x9;
	_ =	strace $0x80000048  }
0xb2: {  	_ =	swait.ge [sflag:s29], $0x1  }
0xb3: {  	[sflag:s29] =	ssyncadd.s32 $0xFFFFFFFF  }
0xb4: {  	_ =	strace $0x90000048  }
0xb5: {  	_ =	sfence  }
0xb6: {  	s30 =	sld [smem:$0x0];
	_ =	sdelay $0x2  }
0xb7: {  	s31 =	sshll.u32 s1, $0xD;
	s1 =	sshrl.u32 s1, $0x2  }
0xb8: {  	s3 =	sand.u32 $0x4000, s31;
	s1 =	sadd.s32 s1, s30  }
0xb9: {  	s0 =	sor.u32 s3, s0;
	s1 =	sshll.u32 s1, $0x11  }
0xba: {  	s0 =	sor.u32 s1, s0  }
0xbb: {  	s0 =	sadd.s32 $0x8F2B, s0  }
0xbc: {  	[sflag:s0] =	ssyncadd.remote.s32 $0x1  }
0xbd: {  	_ =	sfence.sel $0xFFFF  }
0xbe: {  	[dreg:$0x0] =	wrdreg $0xFFFFFFFF;
	(pc) =	sbr.abs _section_cstart, $3  }
0xbf: {  	[dreg:$0x1] =	wrdreg $0xFFFFFFFF  }
0xc0: {  	_ =	task.clear_ibuf [dreg:s6], $0x2FFFF;
	_ =	strace $0x9FFFFFFF  }
0xc1: {  	(tm) =	ssettm $0x7FFFFFFF  }
tec
execute0_lowered:
.L_overlay_start_1:
0x0: {  	(tag) =	ssettag $0x1  }
0x1: {  	s4 =	rddreg [dreg:$0x0]  }
0x2: {  	s0 =	rddreg [dreg:$0x1];
	s2 =	simm.s32 $0x0;
	s3 =	srdreg.scid  }
0x3: {  	s1 =	stileid.u32;
	s10 =	simm.s32 $0x1;
	s11 =	simm.s32 $0x0  }
0x4: {  	[smem:$0x7FF] =	sst s2;
	s5 =	sand.u32 $0x1, s3;
	s6 =	sshll.u32 s1, $0xB  }
0x5: {  	s3 =	sadd.s32 $0x9F600, s4;
	s8 =	sshll.u32 s1, $0xE;
	_ =	strace $0x80000047  }
0x6: {  	s7 =	sshll.u32 s5, $0xA;
	s29 =	ssub.s32 $0x2, s5;
	s8 =	sadd.s32 s8, s4  }
0x7: {  	s30 =	sshll.u32 s5, $0xD;
	s6 =	sor.u32 s7, s6;
	s9 =	sshrl.u32 s29, $0x1  }
0x8: {  	s31 =	sadd.s32 s30, s8;
	s8 =	simm.s32 $0x80;
	s6 =	sadd.s32 s6, s4  }
0x9: {  	s7 =	ssub.s32 s29, s9;
	s9 =	simm.s32 $0x2000;
	s4 =	sadd.s32 $0x17600, s6  }
0xa: {  	s5 =	smax.u32 s7, $0x1;
	s6 =	sadd.s32 $0x1F600, s31;
	s7 =	simm.s32 $0x2  }
.LBB2_1:
0xb: {  	[tilespmem:s2], [sflag:$0x2] =	stream.linear.gather [hbm4b:s4+s2], $0x2000, $0x38;
	[tilespmem:$0x2400] =	vst v63  }
0xc: {  	_ =	swait.ge [sflag:s7], $0x2000  }
0xd: {  	[sflag:s7] =	ssyncset.done $0x0  }
0xe: {  	[sflag:s7] =	ssyncadd.s32 $0xFFFFE000  }
0xf: {  	[tilespmem:s9], [sflag:$0x1] =	stream.indirect.gather [hbm4b:s3+s8], $0x8, s2, s8, $0xb8;
	[tilespmem:$0x2400] =	vst v63  }
0x10: {  	_ =	swait.ge [sflag:s10], $0x400  }
0x11: {  	[sflag:s10] =	ssyncset.done $0x0  }
0x12: {  	s12 =	sadd.s32 $0x0, s6;
	[sflag:s10] =	ssyncadd.s32 $0xFFFFFC00  }
0x13: {  	[hbm4b:s12+s2] =	stream.linear.scatter [tilespmem:s9], [sflag:$0x2], $0x400, $0x38;
	[tilespmem:$0x2400] =	vst v63  }
0x14: {  	_ =	swait.ge [sflag:s7], $0x400  }
0x15: {  	s13 =	simm.s32 $0x0;
	s12 =	simm.s32 $0x80;
	[sflag:s7] =	ssyncset.done $0x0  }
.LBB2_2:
0x16: {  	p0 =	sne.s32 s12, $0x1F80;
	[sflag:s7] =	ssyncadd.s32 $0xFFFFFC00;
	s13 =	sadd.s32 $0x80, s13  }
0x17: {  	[tilespmem:s9], [sflag:$0x1] =	stream.indirect.gather [hbm4b:s3+s8], $0x8, s13, s8, $0xb8;
	[tilespmem:$0x2400] =	vst v63  }
0x18: {  	s14 =	smov.u32 s12;
	s12 =	sadd.s32 $0x80, s12;
	_ =	swait.ge [sflag:s10], $0x400  }
.Ltmp0:
0x19: {  	[sflag:s10] =	ssyncset.done $0x0;
	(pc) =	sbr.rel @p0 .LBB2_2-.Ltmp0, $4  }
0x1a: {  	s14 =	sadd.s32 s14, s6;
	[sflag:s10] =	ssyncadd.s32 $0xFFFFFC00  }
0x1b: {  	[hbm4b:s14+s2] =	stream.linear.scatter [tilespmem:s9], [sflag:$0x2], $0x400, $0x38;
	[tilespmem:$0x2400] =	vst v63  }
0x1c: {  	_ =	swait.ge [sflag:s7], $0x400  }
0x1d: {  	[sflag:s7] =	ssyncset.done $0x0  }
0x1e: {  	s11 =	sadd.s32 $0x1, s11  }
0x1f: {  	p0 =	sne.s32 s11, s5  }
.Ltmp1:
0x20: {  	_ = 	snop;
	(pc) =	sbr.rel @p0 .LBB2_1-.Ltmp1, $2  }
0x21: {  	_ =	sdelay $0x2  }
0x22: {  	[sflag:s7] =	ssyncadd.s32 $0xFFFFFC00  }
0x23: {  	_ =	sfence.sel $0x180000  }
0x24: {  	[bflag:$0x0] =	sbarrier.arrive $0xFFFF  }
0x25: {  	p0 =	sne.s32 s1, $0x0;
	_ =	strace $0x90000047  }
0x26: {  	s0 =	sadd.s32 @!p0 $0x100000, s0;
	[bflag:$0x2] =	sbarrier.arrive $0xFFFF  }
0x27: {  	[sflag:s0] =	ssyncadd.tile.s32 @!p0 $0x1;
	_ =	shalt  }
.Lfunc_end2:
_tile_overlayer_lowered:
.L_overlay_start_2:
0x28: {  	(tag) =	ssettag $0x2  }
0x29: {  	s0 =	rddreg [dreg:$0x0];
	s2 =	stileid.u32  }
0x2a: {  	s1 =	rddreg [dreg:$0x1];
	p0 =	sne.s32 s2, $0x0  }
0x2b: {  	s3 =	rddreg [dreg:$0x2];
	[bflag:$0x3] =	sbarrier.arrive $0xFFFF;
	s2 =	simm.s32 @!p0 $0x1C02  }
0x2c: {  	[timem:s3], [sflag:s2] =	dma.local @!p0 [hbm:s0], s1  }
0x2d: {  	s0 =	simm.s32 @!p0 $0x2  }
0x2e: {  	_ =	swait.ge @!p0 [sflag:s0], s1  }
0x2f: {  	s1 =	ssub.s32 @!p0 $0x0, s1;
	[sflag:s0] =	ssyncset.done @!p0 $0x0  }
0x30: {  	[sflag:s0] =	ssyncadd.s32 @!p0 s1  }
0x31: {  	[bflag:$0x3] =	sbarrier.arrive $0xFFFF  }
0x32: {  	_ =	shalt  }

// kernel: kernel.20.cloned.1.call-start
scs
__scs_entry_jumppad:
0x0: {  	(pc) =	sbr.rel $0x88, $3  }
0x1: {  	(tag) =	ssettag $0x0;
	lr =	simm.s32 $0x1  }
0x2: {  	[smem:$0x3F76] =	sst lr;
	_ =	strace $0xD0000000  }
0x3: {  	_ = 	snop  }
0x4: {  	_ = 	snop  }
0x5: {  	_ = 	snop  }
0x6: {  	_ = 	snop  }
0x7: {  	_ = 	snop  }
__scs_overlays_trampoline_lowered:
0x8: {  	[smem:$0x3F85] =	sst s0  }
0x9: {  	[smem:$0x3F86] =	sst s1  }
0xa: {  	[smem:$0x3F87] =	sst s2  }
0xb: {  	[smem:$0x3F88] =	sst s3  }
0xc: {  	[smem:$0x3F89] =	sst s4  }
0xd: {  	[smem:$0x3F8A] =	sst s5  }
0xe: {  	[smem:$0x3F8B] =	sst s6  }
0xf: {  	[smem:$0x3F8C] =	sst s7  }
0x10: {  	[smem:$0x3F8D] =	sst s8  }
0x11: {  	[smem:$0x3F8E] =	sst s9;
	s0 =	simm.s32 @!p0 $0x0  }
0x12: {  	s1 =	sld [smem:$0x3F74];
	s0 =	simm.s32 @p0 $0x1  }
0x13: {  	[smem:$0x3F8F] =	sst s0;
	s0 =	simm.s32 @!p1 $0x0  }
0x14: {  	s2 =	sld [smem:$0x3F73];
	s0 =	simm.s32 @p1 $0x1  }
0x15: {  	[smem:$0x3F90] =	sst s0;
	s0 =	simm.s32 @!p2 $0x0  }
0x16: {  	s3 =	sld [smem:$0x3FDB];
	s0 =	simm.s32 @p2 $0x1  }
0x17: {  	s4 =	simm.s32 $0x1BF5;
	[smem:$0x3F92] =	sst s0  }
0x18: {  	s0 =	sld [smem:$0x3F75];
	_ =	swait.ge [sflag:s4], $0x0  }
0x19: {  	s7 =	sld [smem:$0x3F76]  }
0x1a: {  	s8 =	sadd.s32 $0xFFFFE003, lr  }
0x1b: {  	s9 =	sadd.s32 $0xFFFFFEF7, lr;
	s5 =	simm.s32 $0xFFFFFFFF;
	p2 =	slt.u32 s8, $0xFFFFF086  }
0x1c: {  	p1 =	slt.u32 s9, $0xF7A;
	s5 =	simm.s32 @!p2 $0x0  }
0x1d: {  	s5 =	simm.s32 @p1 $0x1;
	p0 =	seq.s32 s7, s2  }
0x1e: {  	s7 =	smul.u32 @!p0 $0xF7A, s2;
	p2 =	seq.s32 @!p0 s5, $0x0  }
0x1f: {  	s9 =	smul.u32 $0xF7A, s1;
	s8 =	simm.s32 @!p0 $0x1BF5;
	p2 =	por !p2, p0  }
0x20: {  	[sflag:s8] =	ssyncset.s32 @!p0 $0xFFFFF086;
	s6 =	sadd.s32 @!p0 s3, s7;
	s7 =	simm.s32 @!p0 $0x108  }
0x21: {  	s3 =	sadd.s32 s3, s9;
	s6 =	sadd.s32 @!p0 $0x88, s6;
	s7 =	simm.s32 @p2 $0x1082  }
0x22: {  	[simem:s7], [sflag:s8] =	dma.local @!p0 [hbm:s6], $0xF7A  }
0x23: {  	s9 =	sor.u32 $0xD0000000, s2;
	s6 =	simm.s32 $0x108;
	_ =	swait.ge @!p0 [sflag:s8], $0x0  }
0x24: {  	s3 =	sadd.s32 $0x88, s3;
	s6 =	simm.s32 @!p1 $0x1082;
	[sflag:s4] =	ssyncset.s32 $0xFFFFF086  }
0x25: {  	[simem:s6], [sflag:s4] =	dma.local [hbm:s3], $0xF7A  }
0x26: {  	[smem:$0x3F76] =	sst s1;
	(tag) =	ssettag s2;
	_ =	strace s9  }
0x27: {  	s1 =	sld [smem:$0x3F86]  }
0x28: {  	s2 =	sld [smem:$0x3F87]  }
0x29: {  	s4 =	sld [smem:$0x3F89]  }
0x2a: {  	p0 =	seq.s32 s5, $0x0;
	s5 =	sld [smem:$0x3F8A]  }
0x2b: {  	s6 =	sld [smem:$0x3F8B]  }
0x2c: {  	s7 =	sld [smem:$0x3F8C]  }
0x2d: {  	s3 =	simm.s32 $0x108;
	s8 =	sld [smem:$0x3F8D]  }
0x2e: {  	s3 =	simm.s32 @!p0 $0x1082;
	s9 =	sld [smem:$0x3F8E]  }
0x2f: {  	lr =	sadd.s32 s0, s3;
	s0 =	sld [smem:$0x3F85]  }
0x30: {  	s3 =	sld [smem:$0x3F88]  }
0x31: {  	[smem:$0x3F91] =	sst s10  }
0x32: {  	s10 =	sld [smem:$0x3F8F];
	_ =	sdelay $0x3  }
0x33: {  	p0 =	seq.s32 s10, $0x1;
	s10 =	sld [smem:$0x3F91];
	_ =	sdelay $0x3  }
0x34: {  	[smem:$0x3F91] =	sst s10  }
0x35: {  	s10 =	sld [smem:$0x3F90];
	_ =	sdelay $0x3  }
0x36: {  	p1 =	seq.s32 s10, $0x1;
	s10 =	sld [smem:$0x3F91];
	_ =	sdelay $0x3  }
0x37: {  	[smem:$0x3F91] =	sst s10  }
0x38: {  	s10 =	sld [smem:$0x3F92]  }
0x39: {  	_ = 	snop;
	(pc) =	sbr.ind lr, $3  }
0x3a: {  	_ = 	snop  }
0x3b: {  	_ = 	snop  }
0x3c: {  	p2 =	seq.s32 s10, $0x1;
	s10 =	sld [smem:$0x3F91]  }
0x3d: {  	_ =	shalt  }
0x3e: {  	_ =	shalt  }
0x3f: {  	_ =	shalt  }
0x40: {  	_ =	shalt  }
0x41: {  	_ =	shalt  }
0x42: {  	_ =	shalt  }
0x43: {  	_ =	shalt  }
0x44: {  	_ =	shalt  }
0x45: {  	_ =	shalt  }
0x46: {  	_ =	shalt  }
0x47: {  	_ =	shalt  }
0x48: {  	_ =	shalt  }
0x49: {  	_ =	shalt  }
0x4a: {  	_ =	shalt  }
0x4b: {  	_ =	shalt  }
0x4c: {  	_ =	shalt  }
0x4d: {  	_ =	shalt  }
0x4e: {  	_ =	shalt  }
0x4f: {  	_ =	shalt  }
0x50: {  	_ =	shalt  }
0x51: {  	_ =	shalt  }
0x52: {  	_ =	shalt  }
0x53: {  	_ =	shalt  }
0x54: {  	_ =	shalt  }
0x55: {  	_ =	shalt  }
0x56: {  	_ =	shalt  }
0x57: {  	_ =	shalt  }
0x58: {  	_ =	shalt  }
0x59: {  	_ =	shalt  }
0x5a: {  	_ =	shalt  }
0x5b: {  	_ =	shalt  }
0x5c: {  	_ =	shalt  }
0x5d: {  	_ =	shalt  }
0x5e: {  	_ =	shalt  }
0x5f: {  	_ =	shalt  }
0x60: {  	_ =	shalt  }
0x61: {  	_ =	shalt  }
0x62: {  	_ =	shalt  }
0x63: {  	_ =	shalt  }
0x64: {  	_ =	shalt  }
0x65: {  	_ =	shalt  }
0x66: {  	_ =	shalt  }
0x67: {  	_ =	shalt  }
0x68: {  	_ =	shalt  }
0x69: {  	_ =	shalt  }
0x6a: {  	_ =	shalt  }
0x6b: {  	_ =	shalt  }
0x6c: {  	_ =	shalt  }
0x6d: {  	_ =	shalt  }
0x6e: {  	_ =	shalt  }
0x6f: {  	_ =	shalt  }
0x70: {  	_ =	shalt  }
0x71: {  	_ =	shalt  }
0x72: {  	_ =	shalt  }
0x73: {  	_ =	shalt  }
0x74: {  	_ =	shalt  }
0x75: {  	_ =	shalt  }
0x76: {  	_ =	shalt  }
0x77: {  	_ =	shalt  }
0x78: {  	_ =	shalt  }
0x79: {  	_ =	shalt  }
0x7a: {  	_ =	shalt  }
0x7b: {  	_ =	shalt  }
0x7c: {  	_ =	shalt  }
0x7d: {  	_ =	shalt  }
0x7e: {  	_ =	shalt  }
0x7f: {  	_ =	shalt  }
0x80: {  	_ =	shalt  }
0x81: {  	_ =	shalt  }
0x82: {  	_ =	shalt  }
0x83: {  	_ =	shalt  }
0x84: {  	_ =	shalt  }
0x85: {  	_ =	shalt  }
0x86: {  	_ =	shalt  }
0x87: {  	_ =	shalt  }
.Lfunc_end0:
.L_simem_size_0:
called_computation.1_lowered:
.L_overlay_start_0:
0x88: {  	s2 =	sld [smem:$0x3FD9]  }
0x89: {  	s3 =	sld [smem:$0x3FFE];
	_ =	sdelay $0x1  }
0x8a: {  	s1 =	srdreg.scid  }
0x8b: {  	s0 =	sand.u32 $0x1, s1  }
0x8c: {  	s16 =	sshll.u32 s0, $0xA;
	s2 =	sadd.s32 s3, s2  }
0x8d: {  	s2 =	sadd.s32 s2, s16  }
0x8e: {  	[smem:$0x3F9D] =	sst s2  }
0x8f: {  	_ = 	snop  }
0x90: {  	(tm) =	ssettm $0x1  }
0x91: {  	s17 =	sld [smem:$0x3FFB];
	_ =	sdelay $0x3  }
0x92: {  	_ =	strace s17  }
0x93: {  	s2 =	sld [smem:$0x3FFC];
	_ =	sdelay $0x3  }
0x94: {  	_ =	strace s2  }
0x95: {  	s2 =	sld [smem:$0x3FFD];
	_ =	sdelay $0x3  }
0x96: {  	_ =	strace s2  }
0x97: {  	_ =	strace $0x8FFFFFFF  }
0x98: {  	s18 =	sld [smem:$0x3FDB];
	_ =	sdelay $0x1  }
0x99: {  	s19 =	simm.s32 $_scs_section_size  }
0x9a: {  	s4 =	simm.s32 $_size__tile_overlayer_lowered;
	s5 =	simm.s32 $_tile_overlayer_lowered  }
0x9b: {  	s22 =	simm.s32 $0x1BFF;
	s21 =	sshll.u32 s5, $0x1;
	s2 =	sadd.s32 s19, s18  }
0x9c: {  	s6 =	simm.s32 $0x0;
	s20 =	sshll.u32 s4, $0x1;
	s4 =	sadd.s32 s21, s2  }
0x9d: {  	[timem:s6], [sflag:s22] =	dma.local [hbm:s4], s20  }
0x9e: {  	_ =	swait.ge [sflag:s22], s20  }
0x9f: {  	s3 =	ssub.s32 $0x0, s20;
	[sflag:s22] =	ssyncset.done $0x0  }
0xa0: {  	[sflag:s22] =	ssyncadd.s32 s3;
	_ =	sdelay $0x1  }
0xa1: {  	s23 =	simm.s32 $0x1B8B  }
0xa2: {  	_ =	swait.ge [sflag:s23], $0x1  }
0xa3: {  	[sflag:s23] =	ssyncset.done $0x0  }
0xa4: {  	s25 =	simm.s32 $0x1B8E;
	s24 =	sld [smem:$0x3FFE];
	[sflag:s23] =	ssyncadd.s32 $0xFFFFFFFF  }
0xa5: {  	s26 =	simm.s32 $execute0_lowered;
	[smem:$0x3FD2] =	sst s25  }
0xa6: {  	s4 =	sshll.u32 s26, $0x1;
	_ =	strace $0x80000049;
	[dreg:$0x1] =	wrdreg $0xFFFFFFFF  }
0xa7: {  	s28 =	simm.s32 $_size_execute0_lowered;
	s2 =	sadd.s32 s2, s4;
	[dreg:$0x0] =	wrdreg $0x0  }
0xa8: {  	s4 =	sshll.u32 s28, $0x1;
	[dreg:$0x2] =	wrdreg s2  }
0xa9: {  	[dreg:$0x3] =	wrdreg s4  }
0xaa: {  	[dreg:$0x4] =	wrdreg $0xC0  }
0xab: {  	_ =	task [dreg:s6], $0x5FFFF  }
0xac: {  	[dreg:$0x1] =	wrdreg $0xFFFFFFFF  }
0xad: {  	[dreg:$0x0] =	wrdreg $0x60  }
0xae: {  	[dreg:$0x2] =	wrdreg s24  }
0xaf: {  	[dreg:$0x3] =	wrdreg $0x9  }
0xb0: {  	_ =	task.clear_ibuf [dreg:s6], $0x4FFFF;
	_ =	strace $0x90000049  }
0xb1: {  	s29 =	simm.s32 $0x9;
	_ =	strace $0x8000004B  }
0xb2: {  	_ =	swait.ge [sflag:s29], $0x1  }
0xb3: {  	[sflag:s29] =	ssyncadd.s32 $0xFFFFFFFF  }
0xb4: {  	_ =	strace $0x9000004B  }
0xb5: {  	_ =	sfence  }
0xb6: {  	s30 =	sld [smem:$0x0];
	_ =	sdelay $0x2  }
0xb7: {  	s31 =	sshll.u32 s1, $0xD;
	s1 =	sshrl.u32 s1, $0x2  }
0xb8: {  	s3 =	sand.u32 $0x4000, s31;
	s1 =	sadd.s32 s1, s30  }
0xb9: {  	s0 =	sor.u32 s3, s0;
	s1 =	sshll.u32 s1, $0x11  }
0xba: {  	s0 =	sor.u32 s1, s0  }
0xbb: {  	s0 =	sadd.s32 $0x8F2B, s0  }
0xbc: {  	[sflag:s0] =	ssyncadd.remote.s32 $0x1  }
0xbd: {  	_ =	sfence.sel $0xFFFF  }
0xbe: {  	[dreg:$0x0] =	wrdreg $0xFFFFFFFF;
	(pc) =	sbr.abs _section_cstart, $3  }
0xbf: {  	[dreg:$0x1] =	wrdreg $0xFFFFFFFF  }
0xc0: {  	_ =	task.clear_ibuf [dreg:s6], $0x2FFFF;
	_ =	strace $0x9FFFFFFF  }
0xc1: {  	(tm) =	ssettm $0x7FFFFFFF  }
tec
execute0_lowered:
.L_overlay_start_1:
0x0: {  	(tag) =	ssettag $0x1  }
0x1: {  	s4 =	rddreg [dreg:$0x0]  }
0x2: {  	s0 =	rddreg [dreg:$0x1];
	s2 =	simm.s32 $0x0;
	s5 =	srdreg.scid  }
0x3: {  	s1 =	stileid.u32;
	s11 =	simm.s32 $0x0;
	[smem:$0x7FF] =	sst s2  }
0x4: {  	s3 =	sadd.s32 $0x7600, s4;
	s5 =	sand.u32 $0x1, s5;
	s6 =	sshll.u32 s1, $0x9  }
0x5: {  	s8 =	smul.u32 $0x11000, s1;
	_ =	strace $0x8000004A;
	s7 =	sshll.u32 s5, $0x8  }
0x6: {  	s9 =	ssub.s32 $0x2, s5;
	s10 =	smul.u32 $0x8800, s5;
	s6 =	sor.u32 s7, s6  }
0x7: {  	s29 =	sshrl.u32 s9, $0x1;
	s31 =	sadd.s32 s8, s4;
	s8 =	simm.s32 $0x80  }
0x8: {  	s30 =	sadd.s32 s6, s4;
	s7 =	ssub.s32 s9, s29;
	s6 =	sadd.s32 s10, s31  }
0x9: {  	s9 =	simm.s32 $0x800;
	s10 =	simm.s32 $0x1;
	s4 =	sadd.s32 $0x63600, s30  }
0xa: {  	s5 =	smax.u32 s7, $0x1;
	s6 =	sadd.s32 $0x65600, s6;
	s7 =	simm.s32 $0x2  }
.LBB2_1:
0xb: {  	[tilespmem:s2], [sflag:$0x2] =	stream.linear.gather [hbm4b:s4+s2], $0x800, $0x38;
	[tilespmem:$0x4C00] =	vst v63  }
0xc: {  	_ =	swait.ge [sflag:s7], $0x800  }
0xd: {  	[sflag:s7] =	ssyncset.done $0x0  }
0xe: {  	s12 =	simm.s32 $0x0;
	[sflag:s7] =	ssyncadd.s32 $0xFFFFF800  }
0xf: {  	[tilespmem:s9], [sflag:$0x1] =	stream.indirect.gather [hbm4b:s3+s8], $0x88, s12, s8, $0xb8;
	[tilespmem:$0x4C00] =	vst v63  }
0x10: {  	_ =	swait.ge [sflag:s10], $0x4400  }
0x11: {  	[sflag:s10] =	ssyncset.done $0x0  }
0x12: {  	[sflag:s10] =	ssyncadd.s32 $0xFFFFBC00  }
0x13: {  	[hbm4b:s6+s2] =	stream.linear.scatter [tilespmem:s9], [sflag:$0x2], $0x4400, $0x38;
	[tilespmem:$0x4C00] =	vst v63  }
0x14: {  	s13 =	simm.s32 $0x200;
	_ =	swait.ge [sflag:s7], $0x4400  }
0x15: {  	s14 =	simm.s32 $0x400;
	s12 =	sadd.s32 $0x880, s6;
	[sflag:s7] =	ssyncset.done $0x0  }
.LBB2_2:
0x16: {  	s15 =	sshra.s32 s13, $0x2  }
0x17: {  	[sflag:s7] =	ssyncadd.s32 $0xFFFFBC00;
	s13 =	smov.u32 s14;
	s16 =	sadd.s32 $0x200, s14  }
0x18: {  	[tilespmem:s9], [sflag:$0x1] =	stream.indirect.gather [hbm4b:s3+s8], $0x88, s15, s8, $0xb8;
	[tilespmem:$0x4C00] =	vst v63  }
0x19: {  	p0 =	sne.s32 s14, $0x1E00;
	_ =	swait.ge [sflag:s10], $0x4400  }
.Ltmp0:
0x1a: {  	[sflag:s10] =	ssyncset.done $0x0;
	(pc) =	sbr.rel @p0 .LBB2_2-.Ltmp0, $4  }
0x1b: {  	[sflag:s10] =	ssyncadd.s32 $0xFFFFBC00  }
0x1c: {  	[hbm4b:s12+s2] =	stream.linear.scatter [tilespmem:s9], [sflag:$0x2], $0x4400, $0x38;
	[tilespmem:$0x4C00] =	vst v63  }
0x1d: {  	_ =	swait.ge [sflag:s7], $0x4400  }
0x1e: {  	s14 =	smov.u32 s16;
	s12 =	sadd.s32 $0x880, s12;
	[sflag:s7] =	ssyncset.done $0x0  }
0x1f: {  	s13 =	sshra.s32 s13, $0x2;
	[sflag:s7] =	ssyncadd.s32 $0xFFFFBC00  }
0x20: {  	[tilespmem:s9], [sflag:$0x1] =	stream.indirect.gather [hbm4b:s3+s8], $0x88, s13, s8, $0xb8;
	[tilespmem:$0x4C00] =	vst v63  }
0x21: {  	s11 =	sadd.s32 $0x1, s11;
	_ =	swait.ge [sflag:s10], $0x4400  }
0x22: {  	p0 =	sne.s32 s11, s5;
	[sflag:s10] =	ssyncset.done $0x0  }
.Ltmp1:
0x23: {  	[sflag:s10] =	ssyncadd.s32 $0xFFFFBC00;
	(pc) =	sbr.rel @p0 .LBB2_1-.Ltmp1, $4  }
0x24: {  	[hbm4b:s12+s2] =	stream.linear.scatter [tilespmem:s9], [sflag:$0x2], $0x4400, $0x38;
	[tilespmem:$0x4C00] =	vst v63  }
0x25: {  	_ =	swait.ge [sflag:s7], $0x4400  }
0x26: {  	[sflag:s7] =	ssyncset.done $0x0  }
0x27: {  	[sflag:s7] =	ssyncadd.s32 $0xFFFFBC00  }
0x28: {  	_ =	sfence.sel $0x180000  }
0x29: {  	[bflag:$0x0] =	sbarrier.arrive $0xFFFF  }
0x2a: {  	p0 =	sne.s32 s1, $0x0;
	_ =	strace $0x9000004A  }
0x2b: {  	s0 =	sadd.s32 @!p0 $0x100000, s0;
	[bflag:$0x2] =	sbarrier.arrive $0xFFFF  }
0x2c: {  	[sflag:s0] =	ssyncadd.tile.s32 @!p0 $0x1;
	_ =	shalt  }
.Lfunc_end2:
_tile_overlayer_lowered:
.L_overlay_start_2:
0x2d: {  	(tag) =	ssettag $0x2  }
0x2e: {  	s0 =	rddreg [dreg:$0x0];
	s2 =	stileid.u32  }
0x2f: {  	s1 =	rddreg [dreg:$0x1];
	p0 =	sne.s32 s2, $0x0  }
0x30: {  	s3 =	rddreg [dreg:$0x2];
	[bflag:$0x3] =	sbarrier.arrive $0xFFFF;
	s2 =	simm.s32 @!p0 $0x1C02  }
0x31: {  	[timem:s3], [sflag:s2] =	dma.local @!p0 [hbm:s0], s1  }
0x32: {  	s0 =	simm.s32 @!p0 $0x2  }
0x33: {  	_ =	swait.ge @!p0 [sflag:s0], s1  }
0x34: {  	s1 =	ssub.s32 @!p0 $0x0, s1;
	[sflag:s0] =	ssyncset.done @!p0 $0x0  }
0x35: {  	[sflag:s0] =	ssyncadd.s32 @!p0 s1  }
0x36: {  	[bflag:$0x3] =	sbarrier.arrive $0xFFFF  }
0x37: {  	_ =	shalt  }

</sc_bundles>
